<compile_context>
chip_gen: v7x
topology: tpu7x:2x2x1
jax: 0.10.2.dev20260603
libtpu: 0.0.44.dev20260713+nightly
codegen_flags: <defaults>
</compile_context>

<pallas_src>
import functools

import jax
import jax.numpy as jnp
from jax import lax
from jax.experimental import pallas as pl
from jax.experimental.pallas import tpu as pltpu
from jax.experimental.pallas import tpu_sc as plsc

PREFIX_LENGTH = 128
NUM_LAYERS = 24
HIDDEN_SIZE = 1024
BATCH = 16
EMBED_DIM = NUM_LAYERS * HIDDEN_SIZE
B = BATCH * PREFIX_LENGTH
V = PREFIX_LENGTH

NC, NS = 2, 16
NPHASE = 2
Q = EMBED_DIM // (NC * NPHASE)
RPT = B // NS
VPT = V // NS
NVEC = RPT // 16

LP = [l for l in range(16) if l % 4 != 3]
LD = [l for l in range(16) if l % 4 == 3]
NP = len(LP)
NBUF = 6
DIST = 4
ND = len(LD)

_mesh = plsc.VectorSubcoreMesh(core_axis_name="c", subcore_axis_name="s")


@functools.partial(
    pl.kernel,
    mesh=_mesh,
    out_type=jax.ShapeDtypeStruct((B, EMBED_DIM), jnp.float32),
    scratch_types=(
        [pltpu.VMEM((RPT,), jnp.int32)]
        + [pltpu.VMEM((1, Q), jnp.float32) for _ in range(NBUF)]
        + [pltpu.VMEM_SHARED((V, Q), jnp.float32)]
        + [pltpu.SemaphoreType.DMA for _ in range(2 * NBUF + ND)]
    ),
)
def _gather_kernel(idx_hbm, table_hbm, out_hbm, idx_v, *rest):
    bufs = rest[:NBUF]
    shared_tab = rest[NBUF]
    gsem = rest[NBUF + 1:NBUF + 1 + NBUF]
    ssem = rest[NBUF + 1 + NBUF:NBUF + 1 + 2 * NBUF]
    dsem = rest[NBUF + 1 + 2 * NBUF:]
    c = lax.axis_index("c")
    s = lax.axis_index("s")

    pltpu.sync_copy(idx_hbm.at[s], idx_v)
    row_base = s * RPT

    def gather(v, b):
        pltpu.async_copy(shared_tab.at[pl.ds(v, 1)], bufs[b], gsem[b])

    for p in range(NPHASE):
        col0 = c * (NPHASE * Q) + p * Q
        out_at = lambda k: out_hbm.at[pl.ds(row_base + k, 1), pl.ds(col0, Q)]

        if p > 0:
            plsc.subcore_barrier()
        pltpu.sync_copy(
            table_hbm.at[pl.ds(VPT * s, VPT), pl.ds(col0, Q)],
            shared_tab.at[pl.ds(VPT * s, VPT)],
        )
        plsc.subcore_barrier()

        vec0 = idx_v[pl.ds(0, 16)]
        for o in range(DIST):
            gather(vec0[LP[o]], o % NBUF)

        def body(j, carry):
            vecs = idx_v[pl.ds(j * 16, 16)]
            vecs2 = idx_v[pl.ds(lax.min(j * 16 + 16, RPT - 16), 16)]

            def _wait_store(b2, krel):
                pltpu.make_async_copy(
                    bufs[b2], out_at(j * 16 + krel), ssem[b2]
                ).wait()

            for od, ld in enumerate(LD):
                def _wait_prev_direct(od=od, ld=ld):
                    pltpu.make_async_copy(
                        shared_tab.at[pl.ds(0, 1)],
                        out_at((j - 1) * 16 + ld), dsem[od]
                    ).wait()
                pl.when(j > 0)(_wait_prev_direct)
                pltpu.async_copy(
                    shared_tab.at[pl.ds(vecs[ld], 1)],
                    out_at(j * 16 + ld), dsem[od])

            for o in range(NP):
                b = o % NBUF
                k = j * 16 + LP[o]

                pltpu.make_async_copy(
                    shared_tab.at[pl.ds(0, 1)], bufs[b], gsem[b]
                ).wait()
                pltpu.async_copy(bufs[b], out_at(k), ssem[b])

                b2 = (o + DIST) % NBUF
                if o + DIST < NP:
                    if o + DIST >= NBUF:
                        _wait_store(b2, LP[o + DIST - NBUF])
                    else:
                        pl.when(j > 0)(
                            functools.partial(
                                _wait_store, b2, LP[o + DIST - NBUF] - 16))
                    gather(vecs[LP[o + DIST]], b2)
                else:
                    @pl.when(j < NVEC - 1)
                    def _prefetch_next_group(o=o, b2=b2):
                        _wait_store(b2, LP[o + DIST - NBUF])
                        gather(vecs2[LP[o + DIST - NP]], b2)
            return carry

        lax.fori_loop(0, NVEC, body, 0)
        for o in range(NP - NBUF, NP):
            pltpu.make_async_copy(
                bufs[o % NBUF], out_at((NVEC - 1) * 16 + LP[o]),
                ssem[o % NBUF]
            ).wait()
        for od, ld in enumerate(LD):
            pltpu.make_async_copy(
                shared_tab.at[pl.ds(0, 1)],
                out_at((NVEC - 1) * 16 + ld), dsem[od]
            ).wait()


def kernel(prefix, table):
    idx = prefix.astype(jnp.int32).reshape(NS, RPT)
    out = _gather_kernel(idx, table)
    return out.reshape(BATCH, PREFIX_LENGTH, EMBED_DIM)

# --- scband reference (transcript-rebuilt; emitter-appended) ---
"""Pipeline reference for scband-prefix-encoder-16174846836755 (READ-ONLY COPY).

The authoritative reference and input builder live on the scoring server;
editing this copy changes nothing except your own understanding.
"""

import jax, jax.numpy as jnp
import numpy as np

PREFIX_LENGTH = 128
NUM_LAYERS = 24
HIDDEN_SIZE = 1024
BATCH = 16
EMBED_DIM = NUM_LAYERS * HIDDEN_SIZE

def setup_inputs(seed: int = 0) -> dict:
    key = jax.random.key(seed)
    k1, k2 = jax.random.split(key)
    prefix = jax.random.randint(k1, (BATCH, PREFIX_LENGTH), 0, PREFIX_LENGTH, dtype=jnp.int64 if jax.config.jax_enable_x64 else jnp.int32)
    table = jax.random.normal(k2, (PREFIX_LENGTH, EMBED_DIM), dtype=jnp.float32) * 0.02
    return {"prefix": prefix, "table": table}

def reference(prefix, table):
    # nn.Embedding lookup: gather rows of the table by prefix ids
    past_key_values = jnp.take(table, prefix, axis=0)
    return past_key_values

if __name__ == "__main__":
    import jax
    _d = setup_inputs()
    print(jax.jit(kernel)(*tuple(_d.values())))

</pallas_src>

<mosaic_0001>
#map = affine_map<(d0, d1) -> (0, 0)>
module attributes {stable_mosaic.version = 14 : i64} {
  func.func @_gather_kernel(%arg0: i32, %arg1: i32, %arg2: memref<16x128xi32, #tpu.memory_space<hbm>>, %arg3: memref<128x24576xf32, #tpu.memory_space<hbm>>, %arg4: memref<2048x24576xf32, #tpu.memory_space<hbm>>, %arg5: memref<128xi32, #tpu.memory_space<vmem>>, %arg6: memref<1x6144xf32, #tpu.memory_space<vmem>>, %arg7: memref<1x6144xf32, #tpu.memory_space<vmem>>, %arg8: memref<1x6144xf32, #tpu.memory_space<vmem>>, %arg9: memref<1x6144xf32, #tpu.memory_space<vmem>>, %arg10: memref<1x6144xf32, #tpu.memory_space<vmem>>, %arg11: memref<1x6144xf32, #tpu.memory_space<vmem>>, %arg12: memref<128x6144xf32, #tpu.memory_space<vmem_shared>>, %arg13: memref<!tpu.dma_semaphore, #tpu.memory_space<semaphore_mem>>, %arg14: memref<!tpu.dma_semaphore, #tpu.memory_space<semaphore_mem>>, %arg15: memref<!tpu.dma_semaphore, #tpu.memory_space<semaphore_mem>>, %arg16: memref<!tpu.dma_semaphore, #tpu.memory_space<semaphore_mem>>, %arg17: memref<!tpu.dma_semaphore, #tpu.memory_space<semaphore_mem>>, %arg18: memref<!tpu.dma_semaphore, #tpu.memory_space<semaphore_mem>>, %arg19: memref<!tpu.dma_semaphore, #tpu.memory_space<semaphore_mem>>, %arg20: memref<!tpu.dma_semaphore, #tpu.memory_space<semaphore_mem>>, %arg21: memref<!tpu.dma_semaphore, #tpu.memory_space<semaphore_mem>>, %arg22: memref<!tpu.dma_semaphore, #tpu.memory_space<semaphore_mem>>, %arg23: memref<!tpu.dma_semaphore, #tpu.memory_space<semaphore_mem>>, %arg24: memref<!tpu.dma_semaphore, #tpu.memory_space<semaphore_mem>>, %arg25: memref<!tpu.dma_semaphore, #tpu.memory_space<semaphore_mem>>, %arg26: memref<!tpu.dma_semaphore, #tpu.memory_space<semaphore_mem>>, %arg27: memref<!tpu.dma_semaphore, #tpu.memory_space<semaphore_mem>>, %arg28: memref<!tpu.dma_semaphore, #tpu.memory_space<semaphore_mem>>) attributes {dimension_semantics = [#tpu.dimension_semantics<core_parallel>, #tpu.dimension_semantics<subcore_parallel>], iteration_bounds = array<i64: 2, 16>, scalar_prefetch = 0 : i64, scratch_operands = 24 : i64, tpu.core_type = #tpu.core_type<sc_vector_subcore>, window_params = [{transform_indices = #map}, {transform_indices = #map}, {transform_indices = #map}]} {
    "tpu.region"() ({
      %run_scoped3A = tpu.sem_alloc : memref<!tpu.dma_semaphore, #tpu.memory_space<semaphore_mem>>
      %dma_start3A_174 = arith.constant 0 : i32
      %dma_start3A_175 = tpu.memref_slice %arg2[%arg1, %dma_start3A_174] : memref<16x128xi32, #tpu.memory_space<hbm>> -> memref<1x128xi32, #tpu.memory_space<hbm>>
      %dma_start3A_176 = tpu.memref_squeeze %dma_start3A_175 : memref<1x128xi32, #tpu.memory_space<hbm>> -> memref<128xi32, #tpu.memory_space<hbm>>
      %dma_start3A_177 = arith.constant 0 : i32
      %dma_start3A_178 = tpu.memref_slice %arg2[%arg1, %dma_start3A_177] : memref<16x128xi32, #tpu.memory_space<hbm>> -> memref<1x128xi32, #tpu.memory_space<hbm>>
      %dma_start3A_179 = tpu.memref_squeeze %dma_start3A_178 : memref<1x128xi32, #tpu.memory_space<hbm>> -> memref<128xi32, #tpu.memory_space<hbm>>
      tpu.enqueue_dma source(%dma_start3A_179 : memref<128xi32, #tpu.memory_space<hbm>>) target(%arg5 : memref<128xi32, #tpu.memory_space<vmem>>) target_semaphore(%run_scoped3A : memref<!tpu.dma_semaphore, #tpu.memory_space<semaphore_mem>>)
      %dma_wait3A_180 = arith.constant 0 : i32
      %dma_wait3A_181 = tpu.memref_slice %arg2[%arg1, %dma_wait3A_180] : memref<16x128xi32, #tpu.memory_space<hbm>> -> memref<1x128xi32, #tpu.memory_space<hbm>>
      %dma_wait3A_182 = tpu.memref_squeeze %dma_wait3A_181 : memref<1x128xi32, #tpu.memory_space<hbm>> -> memref<128xi32, #tpu.memory_space<hbm>>
      %dma_wait3A_183 = arith.constant 0 : i32
      %dma_wait3A_184 = tpu.memref_slice %arg2[%arg1, %dma_wait3A_183] : memref<16x128xi32, #tpu.memory_space<hbm>> -> memref<1x128xi32, #tpu.memory_space<hbm>>
      %dma_wait3A_185 = tpu.memref_squeeze %dma_wait3A_184 : memref<1x128xi32, #tpu.memory_space<hbm>> -> memref<128xi32, #tpu.memory_space<hbm>>
      tpu.wait_dma2 semaphore(%run_scoped3A : memref<!tpu.dma_semaphore, #tpu.memory_space<semaphore_mem>>) src(%dma_wait3A_185 : memref<128xi32, #tpu.memory_space<hbm>>) dst(%arg5 : memref<128xi32, #tpu.memory_space<vmem>>)
      tpu.yield
    }) : () -> ()
    %mul3A = arith.constant 128 : i32
    %mul3A_0 = arith.muli %arg1, %mul3A : i32
    %mul3A_1 = arith.constant 12288 : i32
    %mul3A_2 = arith.muli %arg0, %mul3A_1 : i32
    %add3A = arith.constant 0 : i32
    %add3A_3 = arith.addi %mul3A_2, %add3A : i32
    %mul3A_4 = arith.constant 8 : i32
    %mul3A_5 = arith.muli %mul3A_4, %arg1 : i32
    %mul3A_6 = arith.constant 8 : i32
    %mul3A_7 = arith.muli %mul3A_6, %arg1 : i32
    "tpu.region"() ({
      %run_scoped3A = tpu.sem_alloc : memref<!tpu.dma_semaphore, #tpu.memory_space<semaphore_mem>>
      %dma_start3A_174 = arith.constant 0 : i32
      %dma_start3A_175 = tpu.memref_slice %arg12[%mul3A_7, %dma_start3A_174] : memref<128x6144xf32, #tpu.memory_space<vmem_shared>> -> memref<8x6144xf32, #tpu.memory_space<vmem_shared>>
      %dma_start3A_176 = tpu.memref_slice %arg3[%mul3A_5, %add3A_3] : memref<128x24576xf32, #tpu.memory_space<hbm>> -> memref<8x6144xf32, #tpu.memory_space<hbm>>
      tpu.enqueue_dma source(%dma_start3A_176 : memref<8x6144xf32, #tpu.memory_space<hbm>>) target(%dma_start3A_175 : memref<8x6144xf32, #tpu.memory_space<vmem_shared>>) target_semaphore(%run_scoped3A : memref<!tpu.dma_semaphore, #tpu.memory_space<semaphore_mem>>)
      %dma_wait3A_177 = arith.constant 0 : i32
      %dma_wait3A_178 = tpu.memref_slice %arg12[%mul3A_7, %dma_wait3A_177] : memref<128x6144xf32, #tpu.memory_space<vmem_shared>> -> memref<8x6144xf32, #tpu.memory_space<vmem_shared>>
      %dma_wait3A_179 = tpu.memref_slice %arg3[%mul3A_5, %add3A_3] : memref<128x24576xf32, #tpu.memory_space<hbm>> -> memref<8x6144xf32, #tpu.memory_space<hbm>>
      tpu.wait_dma2 semaphore(%run_scoped3A : memref<!tpu.dma_semaphore, #tpu.memory_space<semaphore_mem>>) src(%dma_wait3A_179 : memref<8x6144xf32, #tpu.memory_space<hbm>>) dst(%dma_wait3A_178 : memref<8x6144xf32, #tpu.memory_space<vmem_shared>>)
      tpu.yield
    }) : () -> ()
    %barrier3A = arith.constant 0 : index
    tpu.barrier barrier_id(%barrier3A)
    %get3A = arith.constant 0 : index
    %get3A_8 = tpu.vector_load %arg5[%get3A] {strides = array<i32>} : memref<128xi32, #tpu.memory_space<vmem>>, vector<16xi32>,
    %get3A_9 = vector.shape_cast %get3A_8 : vector<16xi32> to vector<16xi32>
    %slice3A = vector.extract_strided_slice %get3A_9 {offsets = [0], sizes = [1], strides = [1]} : vector<16xi32> to vector<1xi32>
    %squeeze3A = vector.extract %slice3A[0] : i32 from vector<1xi32>
    %dma_start3A = arith.constant 0 : i32
    %dma_start3A_10 = tpu.memref_slice %arg12[%squeeze3A, %dma_start3A] : memref<128x6144xf32, #tpu.memory_space<vmem_shared>> -> memref<1x6144xf32, #tpu.memory_space<vmem_shared>>
    %dma_start3A_11 = arith.constant 0 : i32
    %dma_start3A_12 = tpu.memref_slice %arg12[%squeeze3A, %dma_start3A_11] : memref<128x6144xf32, #tpu.memory_space<vmem_shared>> -> memref<1x6144xf32, #tpu.memory_space<vmem_shared>>
    tpu.enqueue_dma source(%dma_start3A_12 : memref<1x6144xf32, #tpu.memory_space<vmem_shared>>) target(%arg6 : memref<1x6144xf32, #tpu.memory_space<vmem>>) target_semaphore(%arg13 : memref<!tpu.dma_semaphore, #tpu.memory_space<semaphore_mem>>)
    %slice3A_13 = vector.extract_strided_slice %get3A_9 {offsets = [1], sizes = [1], strides = [1]} : vector<16xi32> to vector<1xi32>
    %squeeze3A_14 = vector.extract %slice3A_13[0] : i32 from vector<1xi32>
    %dma_start3A_15 = arith.constant 0 : i32
    %dma_start3A_16 = tpu.memref_slice %arg12[%squeeze3A_14, %dma_start3A_15] : memref<128x6144xf32, #tpu.memory_space<vmem_shared>> -> memref<1x6144xf32, #tpu.memory_space<vmem_shared>>
    %dma_start3A_17 = arith.constant 0 : i32
    %dma_start3A_18 = tpu.memref_slice %arg12[%squeeze3A_14, %dma_start3A_17] : memref<128x6144xf32, #tpu.memory_space<vmem_shared>> -> memref<1x6144xf32, #tpu.memory_space<vmem_shared>>
    tpu.enqueue_dma source(%dma_start3A_18 : memref<1x6144xf32, #tpu.memory_space<vmem_shared>>) target(%arg7 : memref<1x6144xf32, #tpu.memory_space<vmem>>) target_semaphore(%arg14 : memref<!tpu.dma_semaphore, #tpu.memory_space<semaphore_mem>>)
    %slice3A_19 = vector.extract_strided_slice %get3A_9 {offsets = [2], sizes = [1], strides = [1]} : vector<16xi32> to vector<1xi32>
    %squeeze3A_20 = vector.extract %slice3A_19[0] : i32 from vector<1xi32>
    %dma_start3A_21 = arith.constant 0 : i32
    %dma_start3A_22 = tpu.memref_slice %arg12[%squeeze3A_20, %dma_start3A_21] : memref<128x6144xf32, #tpu.memory_space<vmem_shared>> -> memref<1x6144xf32, #tpu.memory_space<vmem_shared>>
    %dma_start3A_23 = arith.constant 0 : i32
    %dma_start3A_24 = tpu.memref_slice %arg12[%squeeze3A_20, %dma_start3A_23] : memref<128x6144xf32, #tpu.memory_space<vmem_shared>> -> memref<1x6144xf32, #tpu.memory_space<vmem_shared>>
    tpu.enqueue_dma source(%dma_start3A_24 : memref<1x6144xf32, #tpu.memory_space<vmem_shared>>) target(%arg8 : memref<1x6144xf32, #tpu.memory_space<vmem>>) target_semaphore(%arg15 : memref<!tpu.dma_semaphore, #tpu.memory_space<semaphore_mem>>)
    %slice3A_25 = vector.extract_strided_slice %get3A_9 {offsets = [4], sizes = [1], strides = [1]} : vector<16xi32> to vector<1xi32>
    %squeeze3A_26 = vector.extract %slice3A_25[0] : i32 from vector<1xi32>
    %dma_start3A_27 = arith.constant 0 : i32
    %dma_start3A_28 = tpu.memref_slice %arg12[%squeeze3A_26, %dma_start3A_27] : memref<128x6144xf32, #tpu.memory_space<vmem_shared>> -> memref<1x6144xf32, #tpu.memory_space<vmem_shared>>
    %dma_start3A_29 = arith.constant 0 : i32
    %dma_start3A_30 = tpu.memref_slice %arg12[%squeeze3A_26, %dma_start3A_29] : memref<128x6144xf32, #tpu.memory_space<vmem_shared>> -> memref<1x6144xf32, #tpu.memory_space<vmem_shared>>
    tpu.enqueue_dma source(%dma_start3A_30 : memref<1x6144xf32, #tpu.memory_space<vmem_shared>>) target(%arg9 : memref<1x6144xf32, #tpu.memory_space<vmem>>) target_semaphore(%arg16 : memref<!tpu.dma_semaphore, #tpu.memory_space<semaphore_mem>>)
    %scan3A = arith.constant 0 : i32
    %scan3A_31 = arith.constant 0 : i32
    %scan3A_32 = arith.constant 8 : i32
    %scan3A_33 = arith.addi %scan3A_31, %scan3A_32 : i32
    %scan3A_34 = arith.constant 1 : i32
    scf.for %scan3A_174 = %scan3A_31 to %scan3A_33 step %scan3A_34  : i32 {
      %mul3A_175 = arith.constant 16 : i32
      %mul3A_176 = arith.muli %scan3A_174, %mul3A_175 : i32
      %get3A_177 = arith.index_cast %mul3A_176 : i32 to index
      %get3A_178 = tpu.vector_load %arg5[%get3A_177] {strides = array<i32>} : memref<128xi32, #tpu.memory_space<vmem>>, vector<16xi32>,
      %get3A_179 = vector.shape_cast %get3A_178 : vector<16xi32> to vector<16xi32>
      %mul3A_180 = arith.constant 16 : i32
      %mul3A_181 = arith.muli %scan3A_174, %mul3A_180 : i32
      %add3A_182 = arith.constant 16 : i32
      %add3A_183 = arith.addi %mul3A_181, %add3A_182 : i32
      %min3A = arith.constant 112 : i32
      %min3A_184 = arith.minsi %add3A_183, %min3A : i32
      %get3A_185 = arith.index_cast %min3A_184 : i32 to index
      %get3A_186 = tpu.vector_load %arg5[%get3A_185] {strides = array<i32>} : memref<128xi32, #tpu.memory_space<vmem>>, vector<16xi32>,
      %get3A_187 = vector.shape_cast %get3A_186 : vector<16xi32> to vector<16xi32>
      %gt3A = arith.constant 0 : i32
      %gt3A_188 = arith.cmpi sgt, %scan3A_174, %gt3A : i32
      %convert_element_type3A = arith.extui %gt3A_188 : i1 to i32
      %cond3A = arith.constant 0 : i32
      %cond3A_189 = arith.cmpi ne, %convert_element_type3A, %cond3A : i32
      scf.if %cond3A_189 {
        %sub3A = arith.constant 1 : i32
        %sub3A_520 = arith.subi %scan3A_174, %sub3A : i32
        %mul3A_521 = arith.constant 16 : i32
        %mul3A_522 = arith.muli %sub3A_520, %mul3A_521 : i32
        %add3A_523 = arith.constant 3 : i32
        %add3A_524 = arith.addi %mul3A_522, %add3A_523 : i32
        %add3A_525 = arith.addi %mul3A_0, %add3A_524 : i32
        %dma_wait3A_526 = tpu.memref_slice %arg4[%add3A_525, %add3A_3] : memref<2048x24576xf32, #tpu.memory_space<hbm>> -> memref<1x6144xf32, #tpu.memory_space<hbm>>
        %dma_wait3A_527 = arith.constant 0 : i32
        %dma_wait3A_528 = arith.constant 0 : i32
        %dma_wait3A_529 = tpu.memref_slice %arg12[%dma_wait3A_527, %dma_wait3A_528] : memref<128x6144xf32, #tpu.memory_space<vmem_shared>> -> memref<1x6144xf32, #tpu.memory_space<vmem_shared>>
        tpu.wait_dma2 semaphore(%arg25 : memref<!tpu.dma_semaphore, #tpu.memory_space<semaphore_mem>>) src(%dma_wait3A_529 : memref<1x6144xf32, #tpu.memory_space<vmem_shared>>) dst(%dma_wait3A_526 : memref<1x6144xf32, #tpu.memory_space<hbm>>)
      } else {
      }
      %slice3A_190 = vector.extract_strided_slice %get3A_179 {offsets = [3], sizes = [1], strides = [1]} : vector<16xi32> to vector<1xi32>
      %squeeze3A_191 = vector.extract %slice3A_190[0] : i32 from vector<1xi32>
      %mul3A_192 = arith.constant 16 : i32
      %mul3A_193 = arith.muli %scan3A_174, %mul3A_192 : i32
      %add3A_194 = arith.constant 3 : i32
      %add3A_195 = arith.addi %mul3A_193, %add3A_194 : i32
      %add3A_196 = arith.addi %mul3A_0, %add3A_195 : i32
      %dma_start3A_197 = tpu.memref_slice %arg4[%add3A_196, %add3A_3] : memref<2048x24576xf32, #tpu.memory_space<hbm>> -> memref<1x6144xf32, #tpu.memory_space<hbm>>
      %dma_start3A_198 = arith.constant 0 : i32
      %dma_start3A_199 = tpu.memref_slice %arg12[%squeeze3A_191, %dma_start3A_198] : memref<128x6144xf32, #tpu.memory_space<vmem_shared>> -> memref<1x6144xf32, #tpu.memory_space<vmem_shared>>
      tpu.enqueue_dma source(%dma_start3A_199 : memref<1x6144xf32, #tpu.memory_space<vmem_shared>>) target(%dma_start3A_197 : memref<1x6144xf32, #tpu.memory_space<hbm>>) target_semaphore(%arg25 : memref<!tpu.dma_semaphore, #tpu.memory_space<semaphore_mem>>)
      %gt3A_200 = arith.constant 0 : i32
      %gt3A_201 = arith.cmpi sgt, %scan3A_174, %gt3A_200 : i32
      %convert_element_type3A_202 = arith.extui %gt3A_201 : i1 to i32
      %cond3A_203 = arith.constant 0 : i32
      %cond3A_204 = arith.cmpi ne, %convert_element_type3A_202, %cond3A_203 : i32
      scf.if %cond3A_204 {
        %sub3A = arith.constant 1 : i32
        %sub3A_520 = arith.subi %scan3A_174, %sub3A : i32
        %mul3A_521 = arith.constant 16 : i32
        %mul3A_522 = arith.muli %sub3A_520, %mul3A_521 : i32
        %add3A_523 = arith.constant 7 : i32
        %add3A_524 = arith.addi %mul3A_522, %add3A_523 : i32
        %add3A_525 = arith.addi %mul3A_0, %add3A_524 : i32
        %dma_wait3A_526 = tpu.memref_slice %arg4[%add3A_525, %add3A_3] : memref<2048x24576xf32, #tpu.memory_space<hbm>> -> memref<1x6144xf32, #tpu.memory_space<hbm>>
        %dma_wait3A_527 = arith.constant 0 : i32
        %dma_wait3A_528 = arith.constant 0 : i32
        %dma_wait3A_529 = tpu.memref_slice %arg12[%dma_wait3A_527, %dma_wait3A_528] : memref<128x6144xf32, #tpu.memory_space<vmem_shared>> -> memref<1x6144xf32, #tpu.memory_space<vmem_shared>>
        tpu.wait_dma2 semaphore(%arg26 : memref<!tpu.dma_semaphore, #tpu.memory_space<semaphore_mem>>) src(%dma_wait3A_529 : memref<1x6144xf32, #tpu.memory_space<vmem_shared>>) dst(%dma_wait3A_526 : memref<1x6144xf32, #tpu.memory_space<hbm>>)
      } else {
      }
      %slice3A_205 = vector.extract_strided_slice %get3A_179 {offsets = [7], sizes = [1], strides = [1]} : vector<16xi32> to vector<1xi32>
      %squeeze3A_206 = vector.extract %slice3A_205[0] : i32 from vector<1xi32>
      %mul3A_207 = arith.constant 16 : i32
      %mul3A_208 = arith.muli %scan3A_174, %mul3A_207 : i32
      %add3A_209 = arith.constant 7 : i32
      %add3A_210 = arith.addi %mul3A_208, %add3A_209 : i32
      %add3A_211 = arith.addi %mul3A_0, %add3A_210 : i32
      %dma_start3A_212 = tpu.memref_slice %arg4[%add3A_211, %add3A_3] : memref<2048x24576xf32, #tpu.memory_space<hbm>> -> memref<1x6144xf32, #tpu.memory_space<hbm>>
      %dma_start3A_213 = arith.constant 0 : i32
      %dma_start3A_214 = tpu.memref_slice %arg12[%squeeze3A_206, %dma_start3A_213] : memref<128x6144xf32, #tpu.memory_space<vmem_shared>> -> memref<1x6144xf32, #tpu.memory_space<vmem_shared>>
      tpu.enqueue_dma source(%dma_start3A_214 : memref<1x6144xf32, #tpu.memory_space<vmem_shared>>) target(%dma_start3A_212 : memref<1x6144xf32, #tpu.memory_space<hbm>>) target_semaphore(%arg26 : memref<!tpu.dma_semaphore, #tpu.memory_space<semaphore_mem>>)
      %gt3A_215 = arith.constant 0 : i32
      %gt3A_216 = arith.cmpi sgt, %scan3A_174, %gt3A_215 : i32
      %convert_element_type3A_217 = arith.extui %gt3A_216 : i1 to i32
      %cond3A_218 = arith.constant 0 : i32
      %cond3A_219 = arith.cmpi ne, %convert_element_type3A_217, %cond3A_218 : i32
      scf.if %cond3A_219 {
        %sub3A = arith.constant 1 : i32
        %sub3A_520 = arith.subi %scan3A_174, %sub3A : i32
        %mul3A_521 = arith.constant 16 : i32
        %mul3A_522 = arith.muli %sub3A_520, %mul3A_521 : i32
        %add3A_523 = arith.constant 11 : i32
        %add3A_524 = arith.addi %mul3A_522, %add3A_523 : i32
        %add3A_525 = arith.addi %mul3A_0, %add3A_524 : i32
        %dma_wait3A_526 = tpu.memref_slice %arg4[%add3A_525, %add3A_3] : memref<2048x24576xf32, #tpu.memory_space<hbm>> -> memref<1x6144xf32, #tpu.memory_space<hbm>>
        %dma_wait3A_527 = arith.constant 0 : i32
        %dma_wait3A_528 = arith.constant 0 : i32
        %dma_wait3A_529 = tpu.memref_slice %arg12[%dma_wait3A_527, %dma_wait3A_528] : memref<128x6144xf32, #tpu.memory_space<vmem_shared>> -> memref<1x6144xf32, #tpu.memory_space<vmem_shared>>
        tpu.wait_dma2 semaphore(%arg27 : memref<!tpu.dma_semaphore, #tpu.memory_space<semaphore_mem>>) src(%dma_wait3A_529 : memref<1x6144xf32, #tpu.memory_space<vmem_shared>>) dst(%dma_wait3A_526 : memref<1x6144xf32, #tpu.memory_space<hbm>>)
      } else {
      }
      %slice3A_220 = vector.extract_strided_slice %get3A_179 {offsets = [11], sizes = [1], strides = [1]} : vector<16xi32> to vector<1xi32>
      %squeeze3A_221 = vector.extract %slice3A_220[0] : i32 from vector<1xi32>
      %mul3A_222 = arith.constant 16 : i32
      %mul3A_223 = arith.muli %scan3A_174, %mul3A_222 : i32
      %add3A_224 = arith.constant 11 : i32
      %add3A_225 = arith.addi %mul3A_223, %add3A_224 : i32
      %add3A_226 = arith.addi %mul3A_0, %add3A_225 : i32
      %dma_start3A_227 = tpu.memref_slice %arg4[%add3A_226, %add3A_3] : memref<2048x24576xf32, #tpu.memory_space<hbm>> -> memref<1x6144xf32, #tpu.memory_space<hbm>>
      %dma_start3A_228 = arith.constant 0 : i32
      %dma_start3A_229 = tpu.memref_slice %arg12[%squeeze3A_221, %dma_start3A_228] : memref<128x6144xf32, #tpu.memory_space<vmem_shared>> -> memref<1x6144xf32, #tpu.memory_space<vmem_shared>>
      tpu.enqueue_dma source(%dma_start3A_229 : memref<1x6144xf32, #tpu.memory_space<vmem_shared>>) target(%dma_start3A_227 : memref<1x6144xf32, #tpu.memory_space<hbm>>) target_semaphore(%arg27 : memref<!tpu.dma_semaphore, #tpu.memory_space<semaphore_mem>>)
      %gt3A_230 = arith.constant 0 : i32
      %gt3A_231 = arith.cmpi sgt, %scan3A_174, %gt3A_230 : i32
      %convert_element_type3A_232 = arith.extui %gt3A_231 : i1 to i32
      %cond3A_233 = arith.constant 0 : i32
      %cond3A_234 = arith.cmpi ne, %convert_element_type3A_232, %cond3A_233 : i32
      scf.if %cond3A_234 {
        %sub3A = arith.constant 1 : i32
        %sub3A_520 = arith.subi %scan3A_174, %sub3A : i32
        %mul3A_521 = arith.constant 16 : i32
        %mul3A_522 = arith.muli %sub3A_520, %mul3A_521 : i32
        %add3A_523 = arith.constant 15 : i32
        %add3A_524 = arith.addi %mul3A_522, %add3A_523 : i32
        %add3A_525 = arith.addi %mul3A_0, %add3A_524 : i32
        %dma_wait3A_526 = tpu.memref_slice %arg4[%add3A_525, %add3A_3] : memref<2048x24576xf32, #tpu.memory_space<hbm>> -> memref<1x6144xf32, #tpu.memory_space<hbm>>
        %dma_wait3A_527 = arith.constant 0 : i32
        %dma_wait3A_528 = arith.constant 0 : i32
        %dma_wait3A_529 = tpu.memref_slice %arg12[%dma_wait3A_527, %dma_wait3A_528] : memref<128x6144xf32, #tpu.memory_space<vmem_shared>> -> memref<1x6144xf32, #tpu.memory_space<vmem_shared>>
        tpu.wait_dma2 semaphore(%arg28 : memref<!tpu.dma_semaphore, #tpu.memory_space<semaphore_mem>>) src(%dma_wait3A_529 : memref<1x6144xf32, #tpu.memory_space<vmem_shared>>) dst(%dma_wait3A_526 : memref<1x6144xf32, #tpu.memory_space<hbm>>)
      } else {
      }
      %slice3A_235 = vector.extract_strided_slice %get3A_179 {offsets = [15], sizes = [1], strides = [1]} : vector<16xi32> to vector<1xi32>
      %squeeze3A_236 = vector.extract %slice3A_235[0] : i32 from vector<1xi32>
      %mul3A_237 = arith.constant 16 : i32
      %mul3A_238 = arith.muli %scan3A_174, %mul3A_237 : i32
      %add3A_239 = arith.constant 15 : i32
      %add3A_240 = arith.addi %mul3A_238, %add3A_239 : i32
      %add3A_241 = arith.addi %mul3A_0, %add3A_240 : i32
      %dma_start3A_242 = tpu.memref_slice %arg4[%add3A_241, %add3A_3] : memref<2048x24576xf32, #tpu.memory_space<hbm>> -> memref<1x6144xf32, #tpu.memory_space<hbm>>
      %dma_start3A_243 = arith.constant 0 : i32
      %dma_start3A_244 = tpu.memref_slice %arg12[%squeeze3A_236, %dma_start3A_243] : memref<128x6144xf32, #tpu.memory_space<vmem_shared>> -> memref<1x6144xf32, #tpu.memory_space<vmem_shared>>
      tpu.enqueue_dma source(%dma_start3A_244 : memref<1x6144xf32, #tpu.memory_space<vmem_shared>>) target(%dma_start3A_242 : memref<1x6144xf32, #tpu.memory_space<hbm>>) target_semaphore(%arg28 : memref<!tpu.dma_semaphore, #tpu.memory_space<semaphore_mem>>)
      %mul3A_245 = arith.constant 16 : i32
      %mul3A_246 = arith.muli %scan3A_174, %mul3A_245 : i32
      %add3A_247 = arith.constant 0 : i32
      %add3A_248 = arith.addi %mul3A_246, %add3A_247 : i32
      %dma_wait3A_249 = arith.constant 0 : i32
      %dma_wait3A_250 = arith.constant 0 : i32
      %dma_wait3A_251 = tpu.memref_slice %arg12[%dma_wait3A_249, %dma_wait3A_250] : memref<128x6144xf32, #tpu.memory_space<vmem_shared>> -> memref<1x6144xf32, #tpu.memory_space<vmem_shared>>
      %dma_wait3A_252 = arith.constant 0 : i32
      %dma_wait3A_253 = arith.constant 0 : i32
      %dma_wait3A_254 = tpu.memref_slice %arg12[%dma_wait3A_252, %dma_wait3A_253] : memref<128x6144xf32, #tpu.memory_space<vmem_shared>> -> memref<1x6144xf32, #tpu.memory_space<vmem_shared>>
      tpu.wait_dma2 semaphore(%arg13 : memref<!tpu.dma_semaphore, #tpu.memory_space<semaphore_mem>>) src(%dma_wait3A_254 : memref<1x6144xf32, #tpu.memory_space<vmem_shared>>) dst(%arg6 : memref<1x6144xf32, #tpu.memory_space<vmem>>)
      %add3A_255 = arith.addi %mul3A_0, %add3A_248 : i32
      %dma_start3A_256 = tpu.memref_slice %arg4[%add3A_255, %add3A_3] : memref<2048x24576xf32, #tpu.memory_space<hbm>> -> memref<1x6144xf32, #tpu.memory_space<hbm>>
      %dma_start3A_257 = tpu.memref_slice %arg4[%add3A_255, %add3A_3] : memref<2048x24576xf32, #tpu.memory_space<hbm>> -> memref<1x6144xf32, #tpu.memory_space<hbm>>
      tpu.enqueue_dma source(%arg6 : memref<1x6144xf32, #tpu.memory_space<vmem>>) target(%dma_start3A_257 : memref<1x6144xf32, #tpu.memory_space<hbm>>) target_semaphore(%arg19 : memref<!tpu.dma_semaphore, #tpu.memory_space<semaphore_mem>>)
      %gt3A_258 = arith.constant 0 : i32
      %gt3A_259 = arith.cmpi sgt, %scan3A_174, %gt3A_258 : i32
      %convert_element_type3A_260 = arith.extui %gt3A_259 : i1 to i32
      %cond3A_261 = arith.constant 0 : i32
      %cond3A_262 = arith.cmpi ne, %convert_element_type3A_260, %cond3A_261 : i32
      scf.if %cond3A_262 {
        %mul3A_520 = arith.constant 16 : i32
        %mul3A_521 = arith.muli %scan3A_174, %mul3A_520 : i32
        %add3A_522 = arith.constant -3 : i32
        %add3A_523 = arith.addi %mul3A_521, %add3A_522 : i32
        %add3A_524 = arith.addi %mul3A_0, %add3A_523 : i32
        %dma_wait3A_525 = tpu.memref_slice %arg4[%add3A_524, %add3A_3] : memref<2048x24576xf32, #tpu.memory_space<hbm>> -> memref<1x6144xf32, #tpu.memory_space<hbm>>
        %dma_wait3A_526 = tpu.memref_slice %arg4[%add3A_524, %add3A_3] : memref<2048x24576xf32, #tpu.memory_space<hbm>> -> memref<1x6144xf32, #tpu.memory_space<hbm>>
        tpu.wait_dma2 semaphore(%arg23 : memref<!tpu.dma_semaphore, #tpu.memory_space<semaphore_mem>>) src(%arg10 : memref<1x6144xf32, #tpu.memory_space<vmem>>) dst(%dma_wait3A_526 : memref<1x6144xf32, #tpu.memory_space<hbm>>)
      } else {
      }
      %slice3A_263 = vector.extract_strided_slice %get3A_179 {offsets = [5], sizes = [1], strides = [1]} : vector<16xi32> to vector<1xi32>
      %squeeze3A_264 = vector.extract %slice3A_263[0] : i32 from vector<1xi32>
      %dma_start3A_265 = arith.constant 0 : i32
      %dma_start3A_266 = tpu.memref_slice %arg12[%squeeze3A_264, %dma_start3A_265] : memref<128x6144xf32, #tpu.memory_space<vmem_shared>> -> memref<1x6144xf32, #tpu.memory_space<vmem_shared>>
      %dma_start3A_267 = arith.constant 0 : i32
      %dma_start3A_268 = tpu.memref_slice %arg12[%squeeze3A_264, %dma_start3A_267] : memref<128x6144xf32, #tpu.memory_space<vmem_shared>> -> memref<1x6144xf32, #tpu.memory_space<vmem_shared>>
      tpu.enqueue_dma source(%dma_start3A_268 : memref<1x6144xf32, #tpu.memory_space<vmem_shared>>) target(%arg10 : memref<1x6144xf32, #tpu.memory_space<vmem>>) target_semaphore(%arg17 : memref<!tpu.dma_semaphore, #tpu.memory_space<semaphore_mem>>)
      %mul3A_269 = arith.constant 16 : i32
      %mul3A_270 = arith.muli %scan3A_174, %mul3A_269 : i32
      %add3A_271 = arith.constant 1 : i32
      %add3A_272 = arith.addi %mul3A_270, %add3A_271 : i32
      %dma_wait3A_273 = arith.constant 0 : i32
      %dma_wait3A_274 = arith.constant 0 : i32
      %dma_wait3A_275 = tpu.memref_slice %arg12[%dma_wait3A_273, %dma_wait3A_274] : memref<128x6144xf32, #tpu.memory_space<vmem_shared>> -> memref<1x6144xf32, #tpu.memory_space<vmem_shared>>
      %dma_wait3A_276 = arith.constant 0 : i32
      %dma_wait3A_277 = arith.constant 0 : i32
      %dma_wait3A_278 = tpu.memref_slice %arg12[%dma_wait3A_276, %dma_wait3A_277] : memref<128x6144xf32, #tpu.memory_space<vmem_shared>> -> memref<1x6144xf32, #tpu.memory_space<vmem_shared>>
      tpu.wait_dma2 semaphore(%arg14 : memref<!tpu.dma_semaphore, #tpu.memory_space<semaphore_mem>>) src(%dma_wait3A_278 : memref<1x6144xf32, #tpu.memory_space<vmem_shared>>) dst(%arg7 : memref<1x6144xf32, #tpu.memory_space<vmem>>)
      %add3A_279 = arith.addi %mul3A_0, %add3A_272 : i32
      %dma_start3A_280 = tpu.memref_slice %arg4[%add3A_279, %add3A_3] : memref<2048x24576xf32, #tpu.memory_space<hbm>> -> memref<1x6144xf32, #tpu.memory_space<hbm>>
      %dma_start3A_281 = tpu.memref_slice %arg4[%add3A_279, %add3A_3] : memref<2048x24576xf32, #tpu.memory_space<hbm>> -> memref<1x6144xf32, #tpu.memory_space<hbm>>
      tpu.enqueue_dma source(%arg7 : memref<1x6144xf32, #tpu.memory_space<vmem>>) target(%dma_start3A_281 : memref<1x6144xf32, #tpu.memory_space<hbm>>) target_semaphore(%arg20 : memref<!tpu.dma_semaphore, #tpu.memory_space<semaphore_mem>>)
      %gt3A_282 = arith.constant 0 : i32
      %gt3A_283 = arith.cmpi sgt, %scan3A_174, %gt3A_282 : i32
      %convert_element_type3A_284 = arith.extui %gt3A_283 : i1 to i32
      %cond3A_285 = arith.constant 0 : i32
      %cond3A_286 = arith.cmpi ne, %convert_element_type3A_284, %cond3A_285 : i32
      scf.if %cond3A_286 {
        %mul3A_520 = arith.constant 16 : i32
        %mul3A_521 = arith.muli %scan3A_174, %mul3A_520 : i32
        %add3A_522 = arith.constant -2 : i32
        %add3A_523 = arith.addi %mul3A_521, %add3A_522 : i32
        %add3A_524 = arith.addi %mul3A_0, %add3A_523 : i32
        %dma_wait3A_525 = tpu.memref_slice %arg4[%add3A_524, %add3A_3] : memref<2048x24576xf32, #tpu.memory_space<hbm>> -> memref<1x6144xf32, #tpu.memory_space<hbm>>
        %dma_wait3A_526 = tpu.memref_slice %arg4[%add3A_524, %add3A_3] : memref<2048x24576xf32, #tpu.memory_space<hbm>> -> memref<1x6144xf32, #tpu.memory_space<hbm>>
        tpu.wait_dma2 semaphore(%arg24 : memref<!tpu.dma_semaphore, #tpu.memory_space<semaphore_mem>>) src(%arg11 : memref<1x6144xf32, #tpu.memory_space<vmem>>) dst(%dma_wait3A_526 : memref<1x6144xf32, #tpu.memory_space<hbm>>)
      } else {
      }
      %slice3A_287 = vector.extract_strided_slice %get3A_179 {offsets = [6], sizes = [1], strides = [1]} : vector<16xi32> to vector<1xi32>
      %squeeze3A_288 = vector.extract %slice3A_287[0] : i32 from vector<1xi32>
      %dma_start3A_289 = arith.constant 0 : i32
      %dma_start3A_290 = tpu.memref_slice %arg12[%squeeze3A_288, %dma_start3A_289] : memref<128x6144xf32, #tpu.memory_space<vmem_shared>> -> memref<1x6144xf32, #tpu.memory_space<vmem_shared>>
      %dma_start3A_291 = arith.constant 0 : i32
      %dma_start3A_292 = tpu.memref_slice %arg12[%squeeze3A_288, %dma_start3A_291] : memref<128x6144xf32, #tpu.memory_space<vmem_shared>> -> memref<1x6144xf32, #tpu.memory_space<vmem_shared>>
      tpu.enqueue_dma source(%dma_start3A_292 : memref<1x6144xf32, #tpu.memory_space<vmem_shared>>) target(%arg11 : memref<1x6144xf32, #tpu.memory_space<vmem>>) target_semaphore(%arg18 : memref<!tpu.dma_semaphore, #tpu.memory_space<semaphore_mem>>)
      %mul3A_293 = arith.constant 16 : i32
      %mul3A_294 = arith.muli %scan3A_174, %mul3A_293 : i32
      %add3A_295 = arith.constant 2 : i32
      %add3A_296 = arith.addi %mul3A_294, %add3A_295 : i32
      %dma_wait3A_297 = arith.constant 0 : i32
      %dma_wait3A_298 = arith.constant 0 : i32
      %dma_wait3A_299 = tpu.memref_slice %arg12[%dma_wait3A_297, %dma_wait3A_298] : memref<128x6144xf32, #tpu.memory_space<vmem_shared>> -> memref<1x6144xf32, #tpu.memory_space<vmem_shared>>
      %dma_wait3A_300 = arith.constant 0 : i32
      %dma_wait3A_301 = arith.constant 0 : i32
      %dma_wait3A_302 = tpu.memref_slice %arg12[%dma_wait3A_300, %dma_wait3A_301] : memref<128x6144xf32, #tpu.memory_space<vmem_shared>> -> memref<1x6144xf32, #tpu.memory_space<vmem_shared>>
      tpu.wait_dma2 semaphore(%arg15 : memref<!tpu.dma_semaphore, #tpu.memory_space<semaphore_mem>>) src(%dma_wait3A_302 : memref<1x6144xf32, #tpu.memory_space<vmem_shared>>) dst(%arg8 : memref<1x6144xf32, #tpu.memory_space<vmem>>)
      %add3A_303 = arith.addi %mul3A_0, %add3A_296 : i32
      %dma_start3A_304 = tpu.memref_slice %arg4[%add3A_303, %add3A_3] : memref<2048x24576xf32, #tpu.memory_space<hbm>> -> memref<1x6144xf32, #tpu.memory_space<hbm>>
      %dma_start3A_305 = tpu.memref_slice %arg4[%add3A_303, %add3A_3] : memref<2048x24576xf32, #tpu.memory_space<hbm>> -> memref<1x6144xf32, #tpu.memory_space<hbm>>
      tpu.enqueue_dma source(%arg8 : memref<1x6144xf32, #tpu.memory_space<vmem>>) target(%dma_start3A_305 : memref<1x6144xf32, #tpu.memory_space<hbm>>) target_semaphore(%arg21 : memref<!tpu.dma_semaphore, #tpu.memory_space<semaphore_mem>>)
      %mul3A_306 = arith.constant 16 : i32
      %mul3A_307 = arith.muli %scan3A_174, %mul3A_306 : i32
      %add3A_308 = arith.constant 0 : i32
      %add3A_309 = arith.addi %mul3A_307, %add3A_308 : i32
      %add3A_310 = arith.addi %mul3A_0, %add3A_309 : i32
      %dma_wait3A_311 = tpu.memref_slice %arg4[%add3A_310, %add3A_3] : memref<2048x24576xf32, #tpu.memory_space<hbm>> -> memref<1x6144xf32, #tpu.memory_space<hbm>>
      %dma_wait3A_312 = tpu.memref_slice %arg4[%add3A_310, %add3A_3] : memref<2048x24576xf32, #tpu.memory_space<hbm>> -> memref<1x6144xf32, #tpu.memory_space<hbm>>
      tpu.wait_dma2 semaphore(%arg19 : memref<!tpu.dma_semaphore, #tpu.memory_space<semaphore_mem>>) src(%arg6 : memref<1x6144xf32, #tpu.memory_space<vmem>>) dst(%dma_wait3A_312 : memref<1x6144xf32, #tpu.memory_space<hbm>>)
      %slice3A_313 = vector.extract_strided_slice %get3A_179 {offsets = [8], sizes = [1], strides = [1]} : vector<16xi32> to vector<1xi32>
      %squeeze3A_314 = vector.extract %slice3A_313[0] : i32 from vector<1xi32>
      %dma_start3A_315 = arith.constant 0 : i32
      %dma_start3A_316 = tpu.memref_slice %arg12[%squeeze3A_314, %dma_start3A_315] : memref<128x6144xf32, #tpu.memory_space<vmem_shared>> -> memref<1x6144xf32, #tpu.memory_space<vmem_shared>>
      %dma_start3A_317 = arith.constant 0 : i32
      %dma_start3A_318 = tpu.memref_slice %arg12[%squeeze3A_314, %dma_start3A_317] : memref<128x6144xf32, #tpu.memory_space<vmem_shared>> -> memref<1x6144xf32, #tpu.memory_space<vmem_shared>>
      tpu.enqueue_dma source(%dma_start3A_318 : memref<1x6144xf32, #tpu.memory_space<vmem_shared>>) target(%arg6 : memref<1x6144xf32, #tpu.memory_space<vmem>>) target_semaphore(%arg13 : memref<!tpu.dma_semaphore, #tpu.memory_space<semaphore_mem>>)
      %mul3A_319 = arith.constant 16 : i32
      %mul3A_320 = arith.muli %scan3A_174, %mul3A_319 : i32
      %add3A_321 = arith.constant 4 : i32
      %add3A_322 = arith.addi %mul3A_320, %add3A_321 : i32
      %dma_wait3A_323 = arith.constant 0 : i32
      %dma_wait3A_324 = arith.constant 0 : i32
      %dma_wait3A_325 = tpu.memref_slice %arg12[%dma_wait3A_323, %dma_wait3A_324] : memref<128x6144xf32, #tpu.memory_space<vmem_shared>> -> memref<1x6144xf32, #tpu.memory_space<vmem_shared>>
      %dma_wait3A_326 = arith.constant 0 : i32
      %dma_wait3A_327 = arith.constant 0 : i32
      %dma_wait3A_328 = tpu.memref_slice %arg12[%dma_wait3A_326, %dma_wait3A_327] : memref<128x6144xf32, #tpu.memory_space<vmem_shared>> -> memref<1x6144xf32, #tpu.memory_space<vmem_shared>>
      tpu.wait_dma2 semaphore(%arg16 : memref<!tpu.dma_semaphore, #tpu.memory_space<semaphore_mem>>) src(%dma_wait3A_328 : memref<1x6144xf32, #tpu.memory_space<vmem_shared>>) dst(%arg9 : memref<1x6144xf32, #tpu.memory_space<vmem>>)
      %add3A_329 = arith.addi %mul3A_0, %add3A_322 : i32
      %dma_start3A_330 = tpu.memref_slice %arg4[%add3A_329, %add3A_3] : memref<2048x24576xf32, #tpu.memory_space<hbm>> -> memref<1x6144xf32, #tpu.memory_space<hbm>>
      %dma_start3A_331 = tpu.memref_slice %arg4[%add3A_329, %add3A_3] : memref<2048x24576xf32, #tpu.memory_space<hbm>> -> memref<1x6144xf32, #tpu.memory_space<hbm>>
      tpu.enqueue_dma source(%arg9 : memref<1x6144xf32, #tpu.memory_space<vmem>>) target(%dma_start3A_331 : memref<1x6144xf32, #tpu.memory_space<hbm>>) target_semaphore(%arg22 : memref<!tpu.dma_semaphore, #tpu.memory_space<semaphore_mem>>)
      %mul3A_332 = arith.constant 16 : i32
      %mul3A_333 = arith.muli %scan3A_174, %mul3A_332 : i32
      %add3A_334 = arith.constant 1 : i32
      %add3A_335 = arith.addi %mul3A_333, %add3A_334 : i32
      %add3A_336 = arith.addi %mul3A_0, %add3A_335 : i32
      %dma_wait3A_337 = tpu.memref_slice %arg4[%add3A_336, %add3A_3] : memref<2048x24576xf32, #tpu.memory_space<hbm>> -> memref<1x6144xf32, #tpu.memory_space<hbm>>
      %dma_wait3A_338 = tpu.memref_slice %arg4[%add3A_336, %add3A_3] : memref<2048x24576xf32, #tpu.memory_space<hbm>> -> memref<1x6144xf32, #tpu.memory_space<hbm>>
      tpu.wait_dma2 semaphore(%arg20 : memref<!tpu.dma_semaphore, #tpu.memory_space<semaphore_mem>>) src(%arg7 : memref<1x6144xf32, #tpu.memory_space<vmem>>) dst(%dma_wait3A_338 : memref<1x6144xf32, #tpu.memory_space<hbm>>)
      %slice3A_339 = vector.extract_strided_slice %get3A_179 {offsets = [9], sizes = [1], strides = [1]} : vector<16xi32> to vector<1xi32>
      %squeeze3A_340 = vector.extract %slice3A_339[0] : i32 from vector<1xi32>
      %dma_start3A_341 = arith.constant 0 : i32
      %dma_start3A_342 = tpu.memref_slice %arg12[%squeeze3A_340, %dma_start3A_341] : memref<128x6144xf32, #tpu.memory_space<vmem_shared>> -> memref<1x6144xf32, #tpu.memory_space<vmem_shared>>
      %dma_start3A_343 = arith.constant 0 : i32
      %dma_start3A_344 = tpu.memref_slice %arg12[%squeeze3A_340, %dma_start3A_343] : memref<128x6144xf32, #tpu.memory_space<vmem_shared>> -> memref<1x6144xf32, #tpu.memory_space<vmem_shared>>
      tpu.enqueue_dma source(%dma_start3A_344 : memref<1x6144xf32, #tpu.memory_space<vmem_shared>>) target(%arg7 : memref<1x6144xf32, #tpu.memory_space<vmem>>) target_semaphore(%arg14 : memref<!tpu.dma_semaphore, #tpu.memory_space<semaphore_mem>>)
      %mul3A_345 = arith.constant 16 : i32
      %mul3A_346 = arith.muli %scan3A_174, %mul3A_345 : i32
      %add3A_347 = arith.constant 5 : i32
      %add3A_348 = arith.addi %mul3A_346, %add3A_347 : i32
      %dma_wait3A_349 = arith.constant 0 : i32
      %dma_wait3A_350 = arith.constant 0 : i32
      %dma_wait3A_351 = tpu.memref_slice %arg12[%dma_wait3A_349, %dma_wait3A_350] : memref<128x6144xf32, #tpu.memory_space<vmem_shared>> -> memref<1x6144xf32, #tpu.memory_space<vmem_shared>>
      %dma_wait3A_352 = arith.constant 0 : i32
      %dma_wait3A_353 = arith.constant 0 : i32
      %dma_wait3A_354 = tpu.memref_slice %arg12[%dma_wait3A_352, %dma_wait3A_353] : memref<128x6144xf32, #tpu.memory_space<vmem_shared>> -> memref<1x6144xf32, #tpu.memory_space<vmem_shared>>
      tpu.wait_dma2 semaphore(%arg17 : memref<!tpu.dma_semaphore, #tpu.memory_space<semaphore_mem>>) src(%dma_wait3A_354 : memref<1x6144xf32, #tpu.memory_space<vmem_shared>>) dst(%arg10 : memref<1x6144xf32, #tpu.memory_space<vmem>>)
      %add3A_355 = arith.addi %mul3A_0, %add3A_348 : i32
      %dma_start3A_356 = tpu.memref_slice %arg4[%add3A_355, %add3A_3] : memref<2048x24576xf32, #tpu.memory_space<hbm>> -> memref<1x6144xf32, #tpu.memory_space<hbm>>
      %dma_start3A_357 = tpu.memref_slice %arg4[%add3A_355, %add3A_3] : memref<2048x24576xf32, #tpu.memory_space<hbm>> -> memref<1x6144xf32, #tpu.memory_space<hbm>>
      tpu.enqueue_dma source(%arg10 : memref<1x6144xf32, #tpu.memory_space<vmem>>) target(%dma_start3A_357 : memref<1x6144xf32, #tpu.memory_space<hbm>>) target_semaphore(%arg23 : memref<!tpu.dma_semaphore, #tpu.memory_space<semaphore_mem>>)
      %mul3A_358 = arith.constant 16 : i32
      %mul3A_359 = arith.muli %scan3A_174, %mul3A_358 : i32
      %add3A_360 = arith.constant 2 : i32
      %add3A_361 = arith.addi %mul3A_359, %add3A_360 : i32
      %add3A_362 = arith.addi %mul3A_0, %add3A_361 : i32
      %dma_wait3A_363 = tpu.memref_slice %arg4[%add3A_362, %add3A_3] : memref<2048x24576xf32, #tpu.memory_space<hbm>> -> memref<1x6144xf32, #tpu.memory_space<hbm>>
      %dma_wait3A_364 = tpu.memref_slice %arg4[%add3A_362, %add3A_3] : memref<2048x24576xf32, #tpu.memory_space<hbm>> -> memref<1x6144xf32, #tpu.memory_space<hbm>>
      tpu.wait_dma2 semaphore(%arg21 : memref<!tpu.dma_semaphore, #tpu.memory_space<semaphore_mem>>) src(%arg8 : memref<1x6144xf32, #tpu.memory_space<vmem>>) dst(%dma_wait3A_364 : memref<1x6144xf32, #tpu.memory_space<hbm>>)
      %slice3A_365 = vector.extract_strided_slice %get3A_179 {offsets = [10], sizes = [1], strides = [1]} : vector<16xi32> to vector<1xi32>
      %squeeze3A_366 = vector.extract %slice3A_365[0] : i32 from vector<1xi32>
      %dma_start3A_367 = arith.constant 0 : i32
      %dma_start3A_368 = tpu.memref_slice %arg12[%squeeze3A_366, %dma_start3A_367] : memref<128x6144xf32, #tpu.memory_space<vmem_shared>> -> memref<1x6144xf32, #tpu.memory_space<vmem_shared>>
      %dma_start3A_369 = arith.constant 0 : i32
      %dma_start3A_370 = tpu.memref_slice %arg12[%squeeze3A_366, %dma_start3A_369] : memref<128x6144xf32, #tpu.memory_space<vmem_shared>> -> memref<1x6144xf32, #tpu.memory_space<vmem_shared>>
      tpu.enqueue_dma source(%dma_start3A_370 : memref<1x6144xf32, #tpu.memory_space<vmem_shared>>) target(%arg8 : memref<1x6144xf32, #tpu.memory_space<vmem>>) target_semaphore(%arg15 : memref<!tpu.dma_semaphore, #tpu.memory_space<semaphore_mem>>)
      %mul3A_371 = arith.constant 16 : i32
      %mul3A_372 = arith.muli %scan3A_174, %mul3A_371 : i32
      %add3A_373 = arith.constant 6 : i32
      %add3A_374 = arith.addi %mul3A_372, %add3A_373 : i32
      %dma_wait3A_375 = arith.constant 0 : i32
      %dma_wait3A_376 = arith.constant 0 : i32
      %dma_wait3A_377 = tpu.memref_slice %arg12[%dma_wait3A_375, %dma_wait3A_376] : memref<128x6144xf32, #tpu.memory_space<vmem_shared>> -> memref<1x6144xf32, #tpu.memory_space<vmem_shared>>
      %dma_wait3A_378 = arith.constant 0 : i32
      %dma_wait3A_379 = arith.constant 0 : i32
      %dma_wait3A_380 = tpu.memref_slice %arg12[%dma_wait3A_378, %dma_wait3A_379] : memref<128x6144xf32, #tpu.memory_space<vmem_shared>> -> memref<1x6144xf32, #tpu.memory_space<vmem_shared>>
      tpu.wait_dma2 semaphore(%arg18 : memref<!tpu.dma_semaphore, #tpu.memory_space<semaphore_mem>>) src(%dma_wait3A_380 : memref<1x6144xf32, #tpu.memory_space<vmem_shared>>) dst(%arg11 : memref<1x6144xf32, #tpu.memory_space<vmem>>)
      %add3A_381 = arith.addi %mul3A_0, %add3A_374 : i32
      %dma_start3A_382 = tpu.memref_slice %arg4[%add3A_381, %add3A_3] : memref<2048x24576xf32, #tpu.memory_space<hbm>> -> memref<1x6144xf32, #tpu.memory_space<hbm>>
      %dma_start3A_383 = tpu.memref_slice %arg4[%add3A_381, %add3A_3] : memref<2048x24576xf32, #tpu.memory_space<hbm>> -> memref<1x6144xf32, #tpu.memory_space<hbm>>
      tpu.enqueue_dma source(%arg11 : memref<1x6144xf32, #tpu.memory_space<vmem>>) target(%dma_start3A_383 : memref<1x6144xf32, #tpu.memory_space<hbm>>) target_semaphore(%arg24 : memref<!tpu.dma_semaphore, #tpu.memory_space<semaphore_mem>>)
      %mul3A_384 = arith.constant 16 : i32
      %mul3A_385 = arith.muli %scan3A_174, %mul3A_384 : i32
      %add3A_386 = arith.constant 4 : i32
      %add3A_387 = arith.addi %mul3A_385, %add3A_386 : i32
      %add3A_388 = arith.addi %mul3A_0, %add3A_387 : i32
      %dma_wait3A_389 = tpu.memref_slice %arg4[%add3A_388, %add3A_3] : memref<2048x24576xf32, #tpu.memory_space<hbm>> -> memref<1x6144xf32, #tpu.memory_space<hbm>>
      %dma_wait3A_390 = tpu.memref_slice %arg4[%add3A_388, %add3A_3] : memref<2048x24576xf32, #tpu.memory_space<hbm>> -> memref<1x6144xf32, #tpu.memory_space<hbm>>
      tpu.wait_dma2 semaphore(%arg22 : memref<!tpu.dma_semaphore, #tpu.memory_space<semaphore_mem>>) src(%arg9 : memref<1x6144xf32, #tpu.memory_space<vmem>>) dst(%dma_wait3A_390 : memref<1x6144xf32, #tpu.memory_space<hbm>>)
      %slice3A_391 = vector.extract_strided_slice %get3A_179 {offsets = [12], sizes = [1], strides = [1]} : vector<16xi32> to vector<1xi32>
      %squeeze3A_392 = vector.extract %slice3A_391[0] : i32 from vector<1xi32>
      %dma_start3A_393 = arith.constant 0 : i32
      %dma_start3A_394 = tpu.memref_slice %arg12[%squeeze3A_392, %dma_start3A_393] : memref<128x6144xf32, #tpu.memory_space<vmem_shared>> -> memref<1x6144xf32, #tpu.memory_space<vmem_shared>>
      %dma_start3A_395 = arith.constant 0 : i32
      %dma_start3A_396 = tpu.memref_slice %arg12[%squeeze3A_392, %dma_start3A_395] : memref<128x6144xf32, #tpu.memory_space<vmem_shared>> -> memref<1x6144xf32, #tpu.memory_space<vmem_shared>>
      tpu.enqueue_dma source(%dma_start3A_396 : memref<1x6144xf32, #tpu.memory_space<vmem_shared>>) target(%arg9 : memref<1x6144xf32, #tpu.memory_space<vmem>>) target_semaphore(%arg16 : memref<!tpu.dma_semaphore, #tpu.memory_space<semaphore_mem>>)
      %mul3A_397 = arith.constant 16 : i32
      %mul3A_398 = arith.muli %scan3A_174, %mul3A_397 : i32
      %add3A_399 = arith.constant 8 : i32
      %add3A_400 = arith.addi %mul3A_398, %add3A_399 : i32
      %dma_wait3A_401 = arith.constant 0 : i32
      %dma_wait3A_402 = arith.constant 0 : i32
      %dma_wait3A_403 = tpu.memref_slice %arg12[%dma_wait3A_401, %dma_wait3A_402] : memref<128x6144xf32, #tpu.memory_space<vmem_shared>> -> memref<1x6144xf32, #tpu.memory_space<vmem_shared>>
      %dma_wait3A_404 = arith.constant 0 : i32
      %dma_wait3A_405 = arith.constant 0 : i32
      %dma_wait3A_406 = tpu.memref_slice %arg12[%dma_wait3A_404, %dma_wait3A_405] : memref<128x6144xf32, #tpu.memory_space<vmem_shared>> -> memref<1x6144xf32, #tpu.memory_space<vmem_shared>>
      tpu.wait_dma2 semaphore(%arg13 : memref<!tpu.dma_semaphore, #tpu.memory_space<semaphore_mem>>) src(%dma_wait3A_406 : memref<1x6144xf32, #tpu.memory_space<vmem_shared>>) dst(%arg6 : memref<1x6144xf32, #tpu.memory_space<vmem>>)
      %add3A_407 = arith.addi %mul3A_0, %add3A_400 : i32
      %dma_start3A_408 = tpu.memref_slice %arg4[%add3A_407, %add3A_3] : memref<2048x24576xf32, #tpu.memory_space<hbm>> -> memref<1x6144xf32, #tpu.memory_space<hbm>>
      %dma_start3A_409 = tpu.memref_slice %arg4[%add3A_407, %add3A_3] : memref<2048x24576xf32, #tpu.memory_space<hbm>> -> memref<1x6144xf32, #tpu.memory_space<hbm>>
      tpu.enqueue_dma source(%arg6 : memref<1x6144xf32, #tpu.memory_space<vmem>>) target(%dma_start3A_409 : memref<1x6144xf32, #tpu.memory_space<hbm>>) target_semaphore(%arg19 : memref<!tpu.dma_semaphore, #tpu.memory_space<semaphore_mem>>)
      %mul3A_410 = arith.constant 16 : i32
      %mul3A_411 = arith.muli %scan3A_174, %mul3A_410 : i32
      %add3A_412 = arith.constant 5 : i32
      %add3A_413 = arith.addi %mul3A_411, %add3A_412 : i32
      %add3A_414 = arith.addi %mul3A_0, %add3A_413 : i32
      %dma_wait3A_415 = tpu.memref_slice %arg4[%add3A_414, %add3A_3] : memref<2048x24576xf32, #tpu.memory_space<hbm>> -> memref<1x6144xf32, #tpu.memory_space<hbm>>
      %dma_wait3A_416 = tpu.memref_slice %arg4[%add3A_414, %add3A_3] : memref<2048x24576xf32, #tpu.memory_space<hbm>> -> memref<1x6144xf32, #tpu.memory_space<hbm>>
      tpu.wait_dma2 semaphore(%arg23 : memref<!tpu.dma_semaphore, #tpu.memory_space<semaphore_mem>>) src(%arg10 : memref<1x6144xf32, #tpu.memory_space<vmem>>) dst(%dma_wait3A_416 : memref<1x6144xf32, #tpu.memory_space<hbm>>)
      %slice3A_417 = vector.extract_strided_slice %get3A_179 {offsets = [13], sizes = [1], strides = [1]} : vector<16xi32> to vector<1xi32>
      %squeeze3A_418 = vector.extract %slice3A_417[0] : i32 from vector<1xi32>
      %dma_start3A_419 = arith.constant 0 : i32
      %dma_start3A_420 = tpu.memref_slice %arg12[%squeeze3A_418, %dma_start3A_419] : memref<128x6144xf32, #tpu.memory_space<vmem_shared>> -> memref<1x6144xf32, #tpu.memory_space<vmem_shared>>
      %dma_start3A_421 = arith.constant 0 : i32
      %dma_start3A_422 = tpu.memref_slice %arg12[%squeeze3A_418, %dma_start3A_421] : memref<128x6144xf32, #tpu.memory_space<vmem_shared>> -> memref<1x6144xf32, #tpu.memory_space<vmem_shared>>
      tpu.enqueue_dma source(%dma_start3A_422 : memref<1x6144xf32, #tpu.memory_space<vmem_shared>>) target(%arg10 : memref<1x6144xf32, #tpu.memory_space<vmem>>) target_semaphore(%arg17 : memref<!tpu.dma_semaphore, #tpu.memory_space<semaphore_mem>>)
      %mul3A_423 = arith.constant 16 : i32
      %mul3A_424 = arith.muli %scan3A_174, %mul3A_423 : i32
      %add3A_425 = arith.constant 9 : i32
      %add3A_426 = arith.addi %mul3A_424, %add3A_425 : i32
      %dma_wait3A_427 = arith.constant 0 : i32
      %dma_wait3A_428 = arith.constant 0 : i32
      %dma_wait3A_429 = tpu.memref_slice %arg12[%dma_wait3A_427, %dma_wait3A_428] : memref<128x6144xf32, #tpu.memory_space<vmem_shared>> -> memref<1x6144xf32, #tpu.memory_space<vmem_shared>>
      %dma_wait3A_430 = arith.constant 0 : i32
      %dma_wait3A_431 = arith.constant 0 : i32
      %dma_wait3A_432 = tpu.memref_slice %arg12[%dma_wait3A_430, %dma_wait3A_431] : memref<128x6144xf32, #tpu.memory_space<vmem_shared>> -> memref<1x6144xf32, #tpu.memory_space<vmem_shared>>
      tpu.wait_dma2 semaphore(%arg14 : memref<!tpu.dma_semaphore, #tpu.memory_space<semaphore_mem>>) src(%dma_wait3A_432 : memref<1x6144xf32, #tpu.memory_space<vmem_shared>>) dst(%arg7 : memref<1x6144xf32, #tpu.memory_space<vmem>>)
      %add3A_433 = arith.addi %mul3A_0, %add3A_426 : i32
      %dma_start3A_434 = tpu.memref_slice %arg4[%add3A_433, %add3A_3] : memref<2048x24576xf32, #tpu.memory_space<hbm>> -> memref<1x6144xf32, #tpu.memory_space<hbm>>
      %dma_start3A_435 = tpu.memref_slice %arg4[%add3A_433, %add3A_3] : memref<2048x24576xf32, #tpu.memory_space<hbm>> -> memref<1x6144xf32, #tpu.memory_space<hbm>>
      tpu.enqueue_dma source(%arg7 : memref<1x6144xf32, #tpu.memory_space<vmem>>) target(%dma_start3A_435 : memref<1x6144xf32, #tpu.memory_space<hbm>>) target_semaphore(%arg20 : memref<!tpu.dma_semaphore, #tpu.memory_space<semaphore_mem>>)
      %mul3A_436 = arith.constant 16 : i32
      %mul3A_437 = arith.muli %scan3A_174, %mul3A_436 : i32
      %add3A_438 = arith.constant 6 : i32
      %add3A_439 = arith.addi %mul3A_437, %add3A_438 : i32
      %add3A_440 = arith.addi %mul3A_0, %add3A_439 : i32
      %dma_wait3A_441 = tpu.memref_slice %arg4[%add3A_440, %add3A_3] : memref<2048x24576xf32, #tpu.memory_space<hbm>> -> memref<1x6144xf32, #tpu.memory_space<hbm>>
      %dma_wait3A_442 = tpu.memref_slice %arg4[%add3A_440, %add3A_3] : memref<2048x24576xf32, #tpu.memory_space<hbm>> -> memref<1x6144xf32, #tpu.memory_space<hbm>>
      tpu.wait_dma2 semaphore(%arg24 : memref<!tpu.dma_semaphore, #tpu.memory_space<semaphore_mem>>) src(%arg11 : memref<1x6144xf32, #tpu.memory_space<vmem>>) dst(%dma_wait3A_442 : memref<1x6144xf32, #tpu.memory_space<hbm>>)
      %slice3A_443 = vector.extract_strided_slice %get3A_179 {offsets = [14], sizes = [1], strides = [1]} : vector<16xi32> to vector<1xi32>
      %squeeze3A_444 = vector.extract %slice3A_443[0] : i32 from vector<1xi32>
      %dma_start3A_445 = arith.constant 0 : i32
      %dma_start3A_446 = tpu.memref_slice %arg12[%squeeze3A_444, %dma_start3A_445] : memref<128x6144xf32, #tpu.memory_space<vmem_shared>> -> memref<1x6144xf32, #tpu.memory_space<vmem_shared>>
      %dma_start3A_447 = arith.constant 0 : i32
      %dma_start3A_448 = tpu.memref_slice %arg12[%squeeze3A_444, %dma_start3A_447] : memref<128x6144xf32, #tpu.memory_space<vmem_shared>> -> memref<1x6144xf32, #tpu.memory_space<vmem_shared>>
      tpu.enqueue_dma source(%dma_start3A_448 : memref<1x6144xf32, #tpu.memory_space<vmem_shared>>) target(%arg11 : memref<1x6144xf32, #tpu.memory_space<vmem>>) target_semaphore(%arg18 : memref<!tpu.dma_semaphore, #tpu.memory_space<semaphore_mem>>)
      %mul3A_449 = arith.constant 16 : i32
      %mul3A_450 = arith.muli %scan3A_174, %mul3A_449 : i32
      %add3A_451 = arith.constant 10 : i32
      %add3A_452 = arith.addi %mul3A_450, %add3A_451 : i32
      %dma_wait3A_453 = arith.constant 0 : i32
      %dma_wait3A_454 = arith.constant 0 : i32
      %dma_wait3A_455 = tpu.memref_slice %arg12[%dma_wait3A_453, %dma_wait3A_454] : memref<128x6144xf32, #tpu.memory_space<vmem_shared>> -> memref<1x6144xf32, #tpu.memory_space<vmem_shared>>
      %dma_wait3A_456 = arith.constant 0 : i32
      %dma_wait3A_457 = arith.constant 0 : i32
      %dma_wait3A_458 = tpu.memref_slice %arg12[%dma_wait3A_456, %dma_wait3A_457] : memref<128x6144xf32, #tpu.memory_space<vmem_shared>> -> memref<1x6144xf32, #tpu.memory_space<vmem_shared>>
      tpu.wait_dma2 semaphore(%arg15 : memref<!tpu.dma_semaphore, #tpu.memory_space<semaphore_mem>>) src(%dma_wait3A_458 : memref<1x6144xf32, #tpu.memory_space<vmem_shared>>) dst(%arg8 : memref<1x6144xf32, #tpu.memory_space<vmem>>)
      %add3A_459 = arith.addi %mul3A_0, %add3A_452 : i32
      %dma_start3A_460 = tpu.memref_slice %arg4[%add3A_459, %add3A_3] : memref<2048x24576xf32, #tpu.memory_space<hbm>> -> memref<1x6144xf32, #tpu.memory_space<hbm>>
      %dma_start3A_461 = tpu.memref_slice %arg4[%add3A_459, %add3A_3] : memref<2048x24576xf32, #tpu.memory_space<hbm>> -> memref<1x6144xf32, #tpu.memory_space<hbm>>
      tpu.enqueue_dma source(%arg8 : memref<1x6144xf32, #tpu.memory_space<vmem>>) target(%dma_start3A_461 : memref<1x6144xf32, #tpu.memory_space<hbm>>) target_semaphore(%arg21 : memref<!tpu.dma_semaphore, #tpu.memory_space<semaphore_mem>>)
      %lt3A = arith.constant 7 : i32
      %lt3A_462 = arith.cmpi slt, %scan3A_174, %lt3A : i32
      %convert_element_type3A_463 = arith.extui %lt3A_462 : i1 to i32
      %cond3A_464 = arith.constant 0 : i32
      %cond3A_465 = arith.cmpi ne, %convert_element_type3A_463, %cond3A_464 : i32
      scf.if %cond3A_465 {
        %mul3A_520 = arith.constant 16 : i32
        %mul3A_521 = arith.muli %scan3A_174, %mul3A_520 : i32
        %add3A_522 = arith.constant 8 : i32
        %add3A_523 = arith.addi %mul3A_521, %add3A_522 : i32
        %add3A_524 = arith.addi %mul3A_0, %add3A_523 : i32
        %dma_wait3A_525 = tpu.memref_slice %arg4[%add3A_524, %add3A_3] : memref<2048x24576xf32, #tpu.memory_space<hbm>> -> memref<1x6144xf32, #tpu.memory_space<hbm>>
        %dma_wait3A_526 = tpu.memref_slice %arg4[%add3A_524, %add3A_3] : memref<2048x24576xf32, #tpu.memory_space<hbm>> -> memref<1x6144xf32, #tpu.memory_space<hbm>>
        tpu.wait_dma2 semaphore(%arg19 : memref<!tpu.dma_semaphore, #tpu.memory_space<semaphore_mem>>) src(%arg6 : memref<1x6144xf32, #tpu.memory_space<vmem>>) dst(%dma_wait3A_526 : memref<1x6144xf32, #tpu.memory_space<hbm>>)
        %slice3A_527 = vector.extract_strided_slice %get3A_187 {offsets = [0], sizes = [1], strides = [1]} : vector<16xi32> to vector<1xi32>
        %squeeze3A_528 = vector.extract %slice3A_527[0] : i32 from vector<1xi32>
        %dma_start3A_529 = arith.constant 0 : i32
        %dma_start3A_530 = tpu.memref_slice %arg12[%squeeze3A_528, %dma_start3A_529] : memref<128x6144xf32, #tpu.memory_space<vmem_shared>> -> memref<1x6144xf32, #tpu.memory_space<vmem_shared>>
        %dma_start3A_531 = arith.constant 0 : i32
        %dma_start3A_532 = tpu.memref_slice %arg12[%squeeze3A_528, %dma_start3A_531] : memref<128x6144xf32, #tpu.memory_space<vmem_shared>> -> memref<1x6144xf32, #tpu.memory_space<vmem_shared>>
        tpu.enqueue_dma source(%dma_start3A_532 : memref<1x6144xf32, #tpu.memory_space<vmem_shared>>) target(%arg6 : memref<1x6144xf32, #tpu.memory_space<vmem>>) target_semaphore(%arg13 : memref<!tpu.dma_semaphore, #tpu.memory_space<semaphore_mem>>)
      } else {
      }
      %mul3A_466 = arith.constant 16 : i32
      %mul3A_467 = arith.muli %scan3A_174, %mul3A_466 : i32
      %add3A_468 = arith.constant 12 : i32
      %add3A_469 = arith.addi %mul3A_467, %add3A_468 : i32
      %dma_wait3A_470 = arith.constant 0 : i32
      %dma_wait3A_471 = arith.constant 0 : i32
      %dma_wait3A_472 = tpu.memref_slice %arg12[%dma_wait3A_470, %dma_wait3A_471] : memref<128x6144xf32, #tpu.memory_space<vmem_shared>> -> memref<1x6144xf32, #tpu.memory_space<vmem_shared>>
      %dma_wait3A_473 = arith.constant 0 : i32
      %dma_wait3A_474 = arith.constant 0 : i32
      %dma_wait3A_475 = tpu.memref_slice %arg12[%dma_wait3A_473, %dma_wait3A_474] : memref<128x6144xf32, #tpu.memory_space<vmem_shared>> -> memref<1x6144xf32, #tpu.memory_space<vmem_shared>>
      tpu.wait_dma2 semaphore(%arg16 : memref<!tpu.dma_semaphore, #tpu.memory_space<semaphore_mem>>) src(%dma_wait3A_475 : memref<1x6144xf32, #tpu.memory_space<vmem_shared>>) dst(%arg9 : memref<1x6144xf32, #tpu.memory_space<vmem>>)
      %add3A_476 = arith.addi %mul3A_0, %add3A_469 : i32
      %dma_start3A_477 = tpu.memref_slice %arg4[%add3A_476, %add3A_3] : memref<2048x24576xf32, #tpu.memory_space<hbm>> -> memref<1x6144xf32, #tpu.memory_space<hbm>>
      %dma_start3A_478 = tpu.memref_slice %arg4[%add3A_476, %add3A_3] : memref<2048x24576xf32, #tpu.memory_space<hbm>> -> memref<1x6144xf32, #tpu.memory_space<hbm>>
      tpu.enqueue_dma source(%arg9 : memref<1x6144xf32, #tpu.memory_space<vmem>>) target(%dma_start3A_478 : memref<1x6144xf32, #tpu.memory_space<hbm>>) target_semaphore(%arg22 : memref<!tpu.dma_semaphore, #tpu.memory_space<semaphore_mem>>)
      %lt3A_479 = arith.constant 7 : i32
      %lt3A_480 = arith.cmpi slt, %scan3A_174, %lt3A_479 : i32
      %convert_element_type3A_481 = arith.extui %lt3A_480 : i1 to i32
      %cond3A_482 = arith.constant 0 : i32
      %cond3A_483 = arith.cmpi ne, %convert_element_type3A_481, %cond3A_482 : i32
      scf.if %cond3A_483 {
        %mul3A_520 = arith.constant 16 : i32
        %mul3A_521 = arith.muli %scan3A_174, %mul3A_520 : i32
        %add3A_522 = arith.constant 9 : i32
        %add3A_523 = arith.addi %mul3A_521, %add3A_522 : i32
        %add3A_524 = arith.addi %mul3A_0, %add3A_523 : i32
        %dma_wait3A_525 = tpu.memref_slice %arg4[%add3A_524, %add3A_3] : memref<2048x24576xf32, #tpu.memory_space<hbm>> -> memref<1x6144xf32, #tpu.memory_space<hbm>>
        %dma_wait3A_526 = tpu.memref_slice %arg4[%add3A_524, %add3A_3] : memref<2048x24576xf32, #tpu.memory_space<hbm>> -> memref<1x6144xf32, #tpu.memory_space<hbm>>
        tpu.wait_dma2 semaphore(%arg20 : memref<!tpu.dma_semaphore, #tpu.memory_space<semaphore_mem>>) src(%arg7 : memref<1x6144xf32, #tpu.memory_space<vmem>>) dst(%dma_wait3A_526 : memref<1x6144xf32, #tpu.memory_space<hbm>>)
        %slice3A_527 = vector.extract_strided_slice %get3A_187 {offsets = [1], sizes = [1], strides = [1]} : vector<16xi32> to vector<1xi32>
        %squeeze3A_528 = vector.extract %slice3A_527[0] : i32 from vector<1xi32>
        %dma_start3A_529 = arith.constant 0 : i32
        %dma_start3A_530 = tpu.memref_slice %arg12[%squeeze3A_528, %dma_start3A_529] : memref<128x6144xf32, #tpu.memory_space<vmem_shared>> -> memref<1x6144xf32, #tpu.memory_space<vmem_shared>>
        %dma_start3A_531 = arith.constant 0 : i32
        %dma_start3A_532 = tpu.memref_slice %arg12[%squeeze3A_528, %dma_start3A_531] : memref<128x6144xf32, #tpu.memory_space<vmem_shared>> -> memref<1x6144xf32, #tpu.memory_space<vmem_shared>>
        tpu.enqueue_dma source(%dma_start3A_532 : memref<1x6144xf32, #tpu.memory_space<vmem_shared>>) target(%arg7 : memref<1x6144xf32, #tpu.memory_space<vmem>>) target_semaphore(%arg14 : memref<!tpu.dma_semaphore, #tpu.memory_space<semaphore_mem>>)
      } else {
      }
      %mul3A_484 = arith.constant 16 : i32
      %mul3A_485 = arith.muli %scan3A_174, %mul3A_484 : i32
      %add3A_486 = arith.constant 13 : i32
      %add3A_487 = arith.addi %mul3A_485, %add3A_486 : i32
      %dma_wait3A_488 = arith.constant 0 : i32
      %dma_wait3A_489 = arith.constant 0 : i32
      %dma_wait3A_490 = tpu.memref_slice %arg12[%dma_wait3A_488, %dma_wait3A_489] : memref<128x6144xf32, #tpu.memory_space<vmem_shared>> -> memref<1x6144xf32, #tpu.memory_space<vmem_shared>>
      %dma_wait3A_491 = arith.constant 0 : i32
      %dma_wait3A_492 = arith.constant 0 : i32
      %dma_wait3A_493 = tpu.memref_slice %arg12[%dma_wait3A_491, %dma_wait3A_492] : memref<128x6144xf32, #tpu.memory_space<vmem_shared>> -> memref<1x6144xf32, #tpu.memory_space<vmem_shared>>
      tpu.wait_dma2 semaphore(%arg17 : memref<!tpu.dma_semaphore, #tpu.memory_space<semaphore_mem>>) src(%dma_wait3A_493 : memref<1x6144xf32, #tpu.memory_space<vmem_shared>>) dst(%arg10 : memref<1x6144xf32, #tpu.memory_space<vmem>>)
      %add3A_494 = arith.addi %mul3A_0, %add3A_487 : i32
      %dma_start3A_495 = tpu.memref_slice %arg4[%add3A_494, %add3A_3] : memref<2048x24576xf32, #tpu.memory_space<hbm>> -> memref<1x6144xf32, #tpu.memory_space<hbm>>
      %dma_start3A_496 = tpu.memref_slice %arg4[%add3A_494, %add3A_3] : memref<2048x24576xf32, #tpu.memory_space<hbm>> -> memref<1x6144xf32, #tpu.memory_space<hbm>>
      tpu.enqueue_dma source(%arg10 : memref<1x6144xf32, #tpu.memory_space<vmem>>) target(%dma_start3A_496 : memref<1x6144xf32, #tpu.memory_space<hbm>>) target_semaphore(%arg23 : memref<!tpu.dma_semaphore, #tpu.memory_space<semaphore_mem>>)
      %lt3A_497 = arith.constant 7 : i32
      %lt3A_498 = arith.cmpi slt, %scan3A_174, %lt3A_497 : i32
      %convert_element_type3A_499 = arith.extui %lt3A_498 : i1 to i32
      %cond3A_500 = arith.constant 0 : i32
      %cond3A_501 = arith.cmpi ne, %convert_element_type3A_499, %cond3A_500 : i32
      scf.if %cond3A_501 {
        %mul3A_520 = arith.constant 16 : i32
        %mul3A_521 = arith.muli %scan3A_174, %mul3A_520 : i32
        %add3A_522 = arith.constant 10 : i32
        %add3A_523 = arith.addi %mul3A_521, %add3A_522 : i32
        %add3A_524 = arith.addi %mul3A_0, %add3A_523 : i32
        %dma_wait3A_525 = tpu.memref_slice %arg4[%add3A_524, %add3A_3] : memref<2048x24576xf32, #tpu.memory_space<hbm>> -> memref<1x6144xf32, #tpu.memory_space<hbm>>
        %dma_wait3A_526 = tpu.memref_slice %arg4[%add3A_524, %add3A_3] : memref<2048x24576xf32, #tpu.memory_space<hbm>> -> memref<1x6144xf32, #tpu.memory_space<hbm>>
        tpu.wait_dma2 semaphore(%arg21 : memref<!tpu.dma_semaphore, #tpu.memory_space<semaphore_mem>>) src(%arg8 : memref<1x6144xf32, #tpu.memory_space<vmem>>) dst(%dma_wait3A_526 : memref<1x6144xf32, #tpu.memory_space<hbm>>)
        %slice3A_527 = vector.extract_strided_slice %get3A_187 {offsets = [2], sizes = [1], strides = [1]} : vector<16xi32> to vector<1xi32>
        %squeeze3A_528 = vector.extract %slice3A_527[0] : i32 from vector<1xi32>
        %dma_start3A_529 = arith.constant 0 : i32
        %dma_start3A_530 = tpu.memref_slice %arg12[%squeeze3A_528, %dma_start3A_529] : memref<128x6144xf32, #tpu.memory_space<vmem_shared>> -> memref<1x6144xf32, #tpu.memory_space<vmem_shared>>
        %dma_start3A_531 = arith.constant 0 : i32
        %dma_start3A_532 = tpu.memref_slice %arg12[%squeeze3A_528, %dma_start3A_531] : memref<128x6144xf32, #tpu.memory_space<vmem_shared>> -> memref<1x6144xf32, #tpu.memory_space<vmem_shared>>
        tpu.enqueue_dma source(%dma_start3A_532 : memref<1x6144xf32, #tpu.memory_space<vmem_shared>>) target(%arg8 : memref<1x6144xf32, #tpu.memory_space<vmem>>) target_semaphore(%arg15 : memref<!tpu.dma_semaphore, #tpu.memory_space<semaphore_mem>>)
      } else {
      }
      %mul3A_502 = arith.constant 16 : i32
      %mul3A_503 = arith.muli %scan3A_174, %mul3A_502 : i32
      %add3A_504 = arith.constant 14 : i32
      %add3A_505 = arith.addi %mul3A_503, %add3A_504 : i32
      %dma_wait3A_506 = arith.constant 0 : i32
      %dma_wait3A_507 = arith.constant 0 : i32
      %dma_wait3A_508 = tpu.memref_slice %arg12[%dma_wait3A_506, %dma_wait3A_507] : memref<128x6144xf32, #tpu.memory_space<vmem_shared>> -> memref<1x6144xf32, #tpu.memory_space<vmem_shared>>
      %dma_wait3A_509 = arith.constant 0 : i32
      %dma_wait3A_510 = arith.constant 0 : i32
      %dma_wait3A_511 = tpu.memref_slice %arg12[%dma_wait3A_509, %dma_wait3A_510] : memref<128x6144xf32, #tpu.memory_space<vmem_shared>> -> memref<1x6144xf32, #tpu.memory_space<vmem_shared>>
      tpu.wait_dma2 semaphore(%arg18 : memref<!tpu.dma_semaphore, #tpu.memory_space<semaphore_mem>>) src(%dma_wait3A_511 : memref<1x6144xf32, #tpu.memory_space<vmem_shared>>) dst(%arg11 : memref<1x6144xf32, #tpu.memory_space<vmem>>)
      %add3A_512 = arith.addi %mul3A_0, %add3A_505 : i32
      %dma_start3A_513 = tpu.memref_slice %arg4[%add3A_512, %add3A_3] : memref<2048x24576xf32, #tpu.memory_space<hbm>> -> memref<1x6144xf32, #tpu.memory_space<hbm>>
      %dma_start3A_514 = tpu.memref_slice %arg4[%add3A_512, %add3A_3] : memref<2048x24576xf32, #tpu.memory_space<hbm>> -> memref<1x6144xf32, #tpu.memory_space<hbm>>
      tpu.enqueue_dma source(%arg11 : memref<1x6144xf32, #tpu.memory_space<vmem>>) target(%dma_start3A_514 : memref<1x6144xf32, #tpu.memory_space<hbm>>) target_semaphore(%arg24 : memref<!tpu.dma_semaphore, #tpu.memory_space<semaphore_mem>>)
      %lt3A_515 = arith.constant 7 : i32
      %lt3A_516 = arith.cmpi slt, %scan3A_174, %lt3A_515 : i32
      %convert_element_type3A_517 = arith.extui %lt3A_516 : i1 to i32
      %cond3A_518 = arith.constant 0 : i32
      %cond3A_519 = arith.cmpi ne, %convert_element_type3A_517, %cond3A_518 : i32
      scf.if %cond3A_519 {
        %mul3A_520 = arith.constant 16 : i32
        %mul3A_521 = arith.muli %scan3A_174, %mul3A_520 : i32
        %add3A_522 = arith.constant 12 : i32
        %add3A_523 = arith.addi %mul3A_521, %add3A_522 : i32
        %add3A_524 = arith.addi %mul3A_0, %add3A_523 : i32
        %dma_wait3A_525 = tpu.memref_slice %arg4[%add3A_524, %add3A_3] : memref<2048x24576xf32, #tpu.memory_space<hbm>> -> memref<1x6144xf32, #tpu.memory_space<hbm>>
        %dma_wait3A_526 = tpu.memref_slice %arg4[%add3A_524, %add3A_3] : memref<2048x24576xf32, #tpu.memory_space<hbm>> -> memref<1x6144xf32, #tpu.memory_space<hbm>>
        tpu.wait_dma2 semaphore(%arg22 : memref<!tpu.dma_semaphore, #tpu.memory_space<semaphore_mem>>) src(%arg9 : memref<1x6144xf32, #tpu.memory_space<vmem>>) dst(%dma_wait3A_526 : memref<1x6144xf32, #tpu.memory_space<hbm>>)
        %slice3A_527 = vector.extract_strided_slice %get3A_187 {offsets = [4], sizes = [1], strides = [1]} : vector<16xi32> to vector<1xi32>
        %squeeze3A_528 = vector.extract %slice3A_527[0] : i32 from vector<1xi32>
        %dma_start3A_529 = arith.constant 0 : i32
        %dma_start3A_530 = tpu.memref_slice %arg12[%squeeze3A_528, %dma_start3A_529] : memref<128x6144xf32, #tpu.memory_space<vmem_shared>> -> memref<1x6144xf32, #tpu.memory_space<vmem_shared>>
        %dma_start3A_531 = arith.constant 0 : i32
        %dma_start3A_532 = tpu.memref_slice %arg12[%squeeze3A_528, %dma_start3A_531] : memref<128x6144xf32, #tpu.memory_space<vmem_shared>> -> memref<1x6144xf32, #tpu.memory_space<vmem_shared>>
        tpu.enqueue_dma source(%dma_start3A_532 : memref<1x6144xf32, #tpu.memory_space<vmem_shared>>) target(%arg9 : memref<1x6144xf32, #tpu.memory_space<vmem>>) target_semaphore(%arg16 : memref<!tpu.dma_semaphore, #tpu.memory_space<semaphore_mem>>)
      } else {
      }
    }
    %scan3A_35 = arith.constant 8 : i32
    %add3A_36 = arith.constant 120 : i32
    %add3A_37 = arith.addi %mul3A_0, %add3A_36 : i32
    %dma_wait3A = tpu.memref_slice %arg4[%add3A_37, %add3A_3] : memref<2048x24576xf32, #tpu.memory_space<hbm>> -> memref<1x6144xf32, #tpu.memory_space<hbm>>
    %dma_wait3A_38 = tpu.memref_slice %arg4[%add3A_37, %add3A_3] : memref<2048x24576xf32, #tpu.memory_space<hbm>> -> memref<1x6144xf32, #tpu.memory_space<hbm>>
    tpu.wait_dma2 semaphore(%arg19 : memref<!tpu.dma_semaphore, #tpu.memory_space<semaphore_mem>>) src(%arg6 : memref<1x6144xf32, #tpu.memory_space<vmem>>) dst(%dma_wait3A_38 : memref<1x6144xf32, #tpu.memory_space<hbm>>)
    %add3A_39 = arith.constant 121 : i32
    %add3A_40 = arith.addi %mul3A_0, %add3A_39 : i32
    %dma_wait3A_41 = tpu.memref_slice %arg4[%add3A_40, %add3A_3] : memref<2048x24576xf32, #tpu.memory_space<hbm>> -> memref<1x6144xf32, #tpu.memory_space<hbm>>
    %dma_wait3A_42 = tpu.memref_slice %arg4[%add3A_40, %add3A_3] : memref<2048x24576xf32, #tpu.memory_space<hbm>> -> memref<1x6144xf32, #tpu.memory_space<hbm>>
    tpu.wait_dma2 semaphore(%arg20 : memref<!tpu.dma_semaphore, #tpu.memory_space<semaphore_mem>>) src(%arg7 : memref<1x6144xf32, #tpu.memory_space<vmem>>) dst(%dma_wait3A_42 : memref<1x6144xf32, #tpu.memory_space<hbm>>)
    %add3A_43 = arith.constant 122 : i32
    %add3A_44 = arith.addi %mul3A_0, %add3A_43 : i32
    %dma_wait3A_45 = tpu.memref_slice %arg4[%add3A_44, %add3A_3] : memref<2048x24576xf32, #tpu.memory_space<hbm>> -> memref<1x6144xf32, #tpu.memory_space<hbm>>
    %dma_wait3A_46 = tpu.memref_slice %arg4[%add3A_44, %add3A_3] : memref<2048x24576xf32, #tpu.memory_space<hbm>> -> memref<1x6144xf32, #tpu.memory_space<hbm>>
    tpu.wait_dma2 semaphore(%arg21 : memref<!tpu.dma_semaphore, #tpu.memory_space<semaphore_mem>>) src(%arg8 : memref<1x6144xf32, #tpu.memory_space<vmem>>) dst(%dma_wait3A_46 : memref<1x6144xf32, #tpu.memory_space<hbm>>)
    %add3A_47 = arith.constant 124 : i32
    %add3A_48 = arith.addi %mul3A_0, %add3A_47 : i32
    %dma_wait3A_49 = tpu.memref_slice %arg4[%add3A_48, %add3A_3] : memref<2048x24576xf32, #tpu.memory_space<hbm>> -> memref<1x6144xf32, #tpu.memory_space<hbm>>
    %dma_wait3A_50 = tpu.memref_slice %arg4[%add3A_48, %add3A_3] : memref<2048x24576xf32, #tpu.memory_space<hbm>> -> memref<1x6144xf32, #tpu.memory_space<hbm>>
    tpu.wait_dma2 semaphore(%arg22 : memref<!tpu.dma_semaphore, #tpu.memory_space<semaphore_mem>>) src(%arg9 : memref<1x6144xf32, #tpu.memory_space<vmem>>) dst(%dma_wait3A_50 : memref<1x6144xf32, #tpu.memory_space<hbm>>)
    %add3A_51 = arith.constant 125 : i32
    %add3A_52 = arith.addi %mul3A_0, %add3A_51 : i32
    %dma_wait3A_53 = tpu.memref_slice %arg4[%add3A_52, %add3A_3] : memref<2048x24576xf32, #tpu.memory_space<hbm>> -> memref<1x6144xf32, #tpu.memory_space<hbm>>
    %dma_wait3A_54 = tpu.memref_slice %arg4[%add3A_52, %add3A_3] : memref<2048x24576xf32, #tpu.memory_space<hbm>> -> memref<1x6144xf32, #tpu.memory_space<hbm>>
    tpu.wait_dma2 semaphore(%arg23 : memref<!tpu.dma_semaphore, #tpu.memory_space<semaphore_mem>>) src(%arg10 : memref<1x6144xf32, #tpu.memory_space<vmem>>) dst(%dma_wait3A_54 : memref<1x6144xf32, #tpu.memory_space<hbm>>)
    %add3A_55 = arith.constant 126 : i32
    %add3A_56 = arith.addi %mul3A_0, %add3A_55 : i32
    %dma_wait3A_57 = tpu.memref_slice %arg4[%add3A_56, %add3A_3] : memref<2048x24576xf32, #tpu.memory_space<hbm>> -> memref<1x6144xf32, #tpu.memory_space<hbm>>
    %dma_wait3A_58 = tpu.memref_slice %arg4[%add3A_56, %add3A_3] : memref<2048x24576xf32, #tpu.memory_space<hbm>> -> memref<1x6144xf32, #tpu.memory_space<hbm>>
    tpu.wait_dma2 semaphore(%arg24 : memref<!tpu.dma_semaphore, #tpu.memory_space<semaphore_mem>>) src(%arg11 : memref<1x6144xf32, #tpu.memory_space<vmem>>) dst(%dma_wait3A_58 : memref<1x6144xf32, #tpu.memory_space<hbm>>)
    %add3A_59 = arith.constant 115 : i32
    %add3A_60 = arith.addi %mul3A_0, %add3A_59 : i32
    %dma_wait3A_61 = tpu.memref_slice %arg4[%add3A_60, %add3A_3] : memref<2048x24576xf32, #tpu.memory_space<hbm>> -> memref<1x6144xf32, #tpu.memory_space<hbm>>
    %dma_wait3A_62 = arith.constant 0 : i32
    %dma_wait3A_63 = arith.constant 0 : i32
    %dma_wait3A_64 = tpu.memref_slice %arg12[%dma_wait3A_62, %dma_wait3A_63] : memref<128x6144xf32, #tpu.memory_space<vmem_shared>> -> memref<1x6144xf32, #tpu.memory_space<vmem_shared>>
    tpu.wait_dma2 semaphore(%arg25 : memref<!tpu.dma_semaphore, #tpu.memory_space<semaphore_mem>>) src(%dma_wait3A_64 : memref<1x6144xf32, #tpu.memory_space<vmem_shared>>) dst(%dma_wait3A_61 : memref<1x6144xf32, #tpu.memory_space<hbm>>)
    %add3A_65 = arith.constant 119 : i32
    %add3A_66 = arith.addi %mul3A_0, %add3A_65 : i32
    %dma_wait3A_67 = tpu.memref_slice %arg4[%add3A_66, %add3A_3] : memref<2048x24576xf32, #tpu.memory_space<hbm>> -> memref<1x6144xf32, #tpu.memory_space<hbm>>
    %dma_wait3A_68 = arith.constant 0 : i32
    %dma_wait3A_69 = arith.constant 0 : i32
    %dma_wait3A_70 = tpu.memref_slice %arg12[%dma_wait3A_68, %dma_wait3A_69] : memref<128x6144xf32, #tpu.memory_space<vmem_shared>> -> memref<1x6144xf32, #tpu.memory_space<vmem_shared>>
    tpu.wait_dma2 semaphore(%arg26 : memref<!tpu.dma_semaphore, #tpu.memory_space<semaphore_mem>>) src(%dma_wait3A_70 : memref<1x6144xf32, #tpu.memory_space<vmem_shared>>) dst(%dma_wait3A_67 : memref<1x6144xf32, #tpu.memory_space<hbm>>)
    %add3A_71 = arith.constant 123 : i32
    %add3A_72 = arith.addi %mul3A_0, %add3A_71 : i32
    %dma_wait3A_73 = tpu.memref_slice %arg4[%add3A_72, %add3A_3] : memref<2048x24576xf32, #tpu.memory_space<hbm>> -> memref<1x6144xf32, #tpu.memory_space<hbm>>
    %dma_wait3A_74 = arith.constant 0 : i32
    %dma_wait3A_75 = arith.constant 0 : i32
    %dma_wait3A_76 = tpu.memref_slice %arg12[%dma_wait3A_74, %dma_wait3A_75] : memref<128x6144xf32, #tpu.memory_space<vmem_shared>> -> memref<1x6144xf32, #tpu.memory_space<vmem_shared>>
    tpu.wait_dma2 semaphore(%arg27 : memref<!tpu.dma_semaphore, #tpu.memory_space<semaphore_mem>>) src(%dma_wait3A_76 : memref<1x6144xf32, #tpu.memory_space<vmem_shared>>) dst(%dma_wait3A_73 : memref<1x6144xf32, #tpu.memory_space<hbm>>)
    %add3A_77 = arith.constant 127 : i32
    %add3A_78 = arith.addi %mul3A_0, %add3A_77 : i32
    %dma_wait3A_79 = tpu.memref_slice %arg4[%add3A_78, %add3A_3] : memref<2048x24576xf32, #tpu.memory_space<hbm>> -> memref<1x6144xf32, #tpu.memory_space<hbm>>
    %dma_wait3A_80 = arith.constant 0 : i32
    %dma_wait3A_81 = arith.constant 0 : i32
    %dma_wait3A_82 = tpu.memref_slice %arg12[%dma_wait3A_80, %dma_wait3A_81] : memref<128x6144xf32, #tpu.memory_space<vmem_shared>> -> memref<1x6144xf32, #tpu.memory_space<vmem_shared>>
    tpu.wait_dma2 semaphore(%arg28 : memref<!tpu.dma_semaphore, #tpu.memory_space<semaphore_mem>>) src(%dma_wait3A_82 : memref<1x6144xf32, #tpu.memory_space<vmem_shared>>) dst(%dma_wait3A_79 : memref<1x6144xf32, #tpu.memory_space<hbm>>)
    %mul3A_83 = arith.constant 12288 : i32
    %mul3A_84 = arith.muli %arg0, %mul3A_83 : i32
    %add3A_85 = arith.constant 6144 : i32
    %add3A_86 = arith.addi %mul3A_84, %add3A_85 : i32
    %barrier3A_87 = arith.constant 0 : index
    tpu.barrier barrier_id(%barrier3A_87)
    %mul3A_88 = arith.constant 8 : i32
    %mul3A_89 = arith.muli %mul3A_88, %arg1 : i32
    %mul3A_90 = arith.constant 8 : i32
    %mul3A_91 = arith.muli %mul3A_90, %arg1 : i32
    "tpu.region"() ({
      %run_scoped3A = tpu.sem_alloc : memref<!tpu.dma_semaphore, #tpu.memory_space<semaphore_mem>>
      %dma_start3A_174 = arith.constant 0 : i32
      %dma_start3A_175 = tpu.memref_slice %arg12[%mul3A_91, %dma_start3A_174] : memref<128x6144xf32, #tpu.memory_space<vmem_shared>> -> memref<8x6144xf32, #tpu.memory_space<vmem_shared>>
      %dma_start3A_176 = tpu.memref_slice %arg3[%mul3A_89, %add3A_86] : memref<128x24576xf32, #tpu.memory_space<hbm>> -> memref<8x6144xf32, #tpu.memory_space<hbm>>
      tpu.enqueue_dma source(%dma_start3A_176 : memref<8x6144xf32, #tpu.memory_space<hbm>>) target(%dma_start3A_175 : memref<8x6144xf32, #tpu.memory_space<vmem_shared>>) target_semaphore(%run_scoped3A : memref<!tpu.dma_semaphore, #tpu.memory_space<semaphore_mem>>)
      %dma_wait3A_177 = arith.constant 0 : i32
      %dma_wait3A_178 = tpu.memref_slice %arg12[%mul3A_91, %dma_wait3A_177] : memref<128x6144xf32, #tpu.memory_space<vmem_shared>> -> memref<8x6144xf32, #tpu.memory_space<vmem_shared>>
      %dma_wait3A_179 = tpu.memref_slice %arg3[%mul3A_89, %add3A_86] : memref<128x24576xf32, #tpu.memory_space<hbm>> -> memref<8x6144xf32, #tpu.memory_space<hbm>>
      tpu.wait_dma2 semaphore(%run_scoped3A : memref<!tpu.dma_semaphore, #tpu.memory_space<semaphore_mem>>) src(%dma_wait3A_179 : memref<8x6144xf32, #tpu.memory_space<hbm>>) dst(%dma_wait3A_178 : memref<8x6144xf32, #tpu.memory_space<vmem_shared>>)
      tpu.yield
    }) : () -> ()
    %barrier3A_92 = arith.constant 0 : index
    tpu.barrier barrier_id(%barrier3A_92)
    %get3A_93 = arith.constant 0 : index
    %get3A_94 = tpu.vector_load %arg5[%get3A_93] {strides = array<i32>} : memref<128xi32, #tpu.memory_space<vmem>>, vector<16xi32>,
    %get3A_95 = vector.shape_cast %get3A_94 : vector<16xi32> to vector<16xi32>
    %slice3A_96 = vector.extract_strided_slice %get3A_95 {offsets = [0], sizes = [1], strides = [1]} : vector<16xi32> to vector<1xi32>
    %squeeze3A_97 = vector.extract %slice3A_96[0] : i32 from vector<1xi32>
    %dma_start3A_98 = arith.constant 0 : i32
    %dma_start3A_99 = tpu.memref_slice %arg12[%squeeze3A_97, %dma_start3A_98] : memref<128x6144xf32, #tpu.memory_space<vmem_shared>> -> memref<1x6144xf32, #tpu.memory_space<vmem_shared>>
    %dma_start3A_100 = arith.constant 0 : i32
    %dma_start3A_101 = tpu.memref_slice %arg12[%squeeze3A_97, %dma_start3A_100] : memref<128x6144xf32, #tpu.memory_space<vmem_shared>> -> memref<1x6144xf32, #tpu.memory_space<vmem_shared>>
    tpu.enqueue_dma source(%dma_start3A_101 : memref<1x6144xf32, #tpu.memory_space<vmem_shared>>) target(%arg6 : memref<1x6144xf32, #tpu.memory_space<vmem>>) target_semaphore(%arg13 : memref<!tpu.dma_semaphore, #tpu.memory_space<semaphore_mem>>)
    %slice3A_102 = vector.extract_strided_slice %get3A_95 {offsets = [1], sizes = [1], strides = [1]} : vector<16xi32> to vector<1xi32>
    %squeeze3A_103 = vector.extract %slice3A_102[0] : i32 from vector<1xi32>
    %dma_start3A_104 = arith.constant 0 : i32
    %dma_start3A_105 = tpu.memref_slice %arg12[%squeeze3A_103, %dma_start3A_104] : memref<128x6144xf32, #tpu.memory_space<vmem_shared>> -> memref<1x6144xf32, #tpu.memory_space<vmem_shared>>
    %dma_start3A_106 = arith.constant 0 : i32
    %dma_start3A_107 = tpu.memref_slice %arg12[%squeeze3A_103, %dma_start3A_106] : memref<128x6144xf32, #tpu.memory_space<vmem_shared>> -> memref<1x6144xf32, #tpu.memory_space<vmem_shared>>
    tpu.enqueue_dma source(%dma_start3A_107 : memref<1x6144xf32, #tpu.memory_space<vmem_shared>>) target(%arg7 : memref<1x6144xf32, #tpu.memory_space<vmem>>) target_semaphore(%arg14 : memref<!tpu.dma_semaphore, #tpu.memory_space<semaphore_mem>>)
    %slice3A_108 = vector.extract_strided_slice %get3A_95 {offsets = [2], sizes = [1], strides = [1]} : vector<16xi32> to vector<1xi32>
    %squeeze3A_109 = vector.extract %slice3A_108[0] : i32 from vector<1xi32>
    %dma_start3A_110 = arith.constant 0 : i32
    %dma_start3A_111 = tpu.memref_slice %arg12[%squeeze3A_109, %dma_start3A_110] : memref<128x6144xf32, #tpu.memory_space<vmem_shared>> -> memref<1x6144xf32, #tpu.memory_space<vmem_shared>>
    %dma_start3A_112 = arith.constant 0 : i32
    %dma_start3A_113 = tpu.memref_slice %arg12[%squeeze3A_109, %dma_start3A_112] : memref<128x6144xf32, #tpu.memory_space<vmem_shared>> -> memref<1x6144xf32, #tpu.memory_space<vmem_shared>>
    tpu.enqueue_dma source(%dma_start3A_113 : memref<1x6144xf32, #tpu.memory_space<vmem_shared>>) target(%arg8 : memref<1x6144xf32, #tpu.memory_space<vmem>>) target_semaphore(%arg15 : memref<!tpu.dma_semaphore, #tpu.memory_space<semaphore_mem>>)
    %slice3A_114 = vector.extract_strided_slice %get3A_95 {offsets = [4], sizes = [1], strides = [1]} : vector<16xi32> to vector<1xi32>
    %squeeze3A_115 = vector.extract %slice3A_114[0] : i32 from vector<1xi32>
    %dma_start3A_116 = arith.constant 0 : i32
    %dma_start3A_117 = tpu.memref_slice %arg12[%squeeze3A_115, %dma_start3A_116] : memref<128x6144xf32, #tpu.memory_space<vmem_shared>> -> memref<1x6144xf32, #tpu.memory_space<vmem_shared>>
    %dma_start3A_118 = arith.constant 0 : i32
    %dma_start3A_119 = tpu.memref_slice %arg12[%squeeze3A_115, %dma_start3A_118] : memref<128x6144xf32, #tpu.memory_space<vmem_shared>> -> memref<1x6144xf32, #tpu.memory_space<vmem_shared>>
    tpu.enqueue_dma source(%dma_start3A_119 : memref<1x6144xf32, #tpu.memory_space<vmem_shared>>) target(%arg9 : memref<1x6144xf32, #tpu.memory_space<vmem>>) target_semaphore(%arg16 : memref<!tpu.dma_semaphore, #tpu.memory_space<semaphore_mem>>)
    %scan3A_120 = arith.constant 0 : i32
    %scan3A_121 = arith.constant 0 : i32
    %scan3A_122 = arith.constant 8 : i32
    %scan3A_123 = arith.addi %scan3A_121, %scan3A_122 : i32
    %scan3A_124 = arith.constant 1 : i32
    scf.for %scan3A_174 = %scan3A_121 to %scan3A_123 step %scan3A_124  : i32 {
      %mul3A_175 = arith.constant 16 : i32
      %mul3A_176 = arith.muli %scan3A_174, %mul3A_175 : i32
      %get3A_177 = arith.index_cast %mul3A_176 : i32 to index
      %get3A_178 = tpu.vector_load %arg5[%get3A_177] {strides = array<i32>} : memref<128xi32, #tpu.memory_space<vmem>>, vector<16xi32>,
      %get3A_179 = vector.shape_cast %get3A_178 : vector<16xi32> to vector<16xi32>
      %mul3A_180 = arith.constant 16 : i32
      %mul3A_181 = arith.muli %scan3A_174, %mul3A_180 : i32
      %add3A_182 = arith.constant 16 : i32
      %add3A_183 = arith.addi %mul3A_181, %add3A_182 : i32
      %min3A = arith.constant 112 : i32
      %min3A_184 = arith.minsi %add3A_183, %min3A : i32
      %get3A_185 = arith.index_cast %min3A_184 : i32 to index
      %get3A_186 = tpu.vector_load %arg5[%get3A_185] {strides = array<i32>} : memref<128xi32, #tpu.memory_space<vmem>>, vector<16xi32>,
      %get3A_187 = vector.shape_cast %get3A_186 : vector<16xi32> to vector<16xi32>
      %gt3A = arith.constant 0 : i32
      %gt3A_188 = arith.cmpi sgt, %scan3A_174, %gt3A : i32
      %convert_element_type3A = arith.extui %gt3A_188 : i1 to i32
      %cond3A = arith.constant 0 : i32
      %cond3A_189 = arith.cmpi ne, %convert_element_type3A, %cond3A : i32
      scf.if %cond3A_189 {
        %sub3A = arith.constant 1 : i32
        %sub3A_520 = arith.subi %scan3A_174, %sub3A : i32
        %mul3A_521 = arith.constant 16 : i32
        %mul3A_522 = arith.muli %sub3A_520, %mul3A_521 : i32
        %add3A_523 = arith.constant 3 : i32
        %add3A_524 = arith.addi %mul3A_522, %add3A_523 : i32
        %add3A_525 = arith.addi %mul3A_0, %add3A_524 : i32
        %dma_wait3A_526 = tpu.memref_slice %arg4[%add3A_525, %add3A_86] : memref<2048x24576xf32, #tpu.memory_space<hbm>> -> memref<1x6144xf32, #tpu.memory_space<hbm>>
        %dma_wait3A_527 = arith.constant 0 : i32
        %dma_wait3A_528 = arith.constant 0 : i32
        %dma_wait3A_529 = tpu.memref_slice %arg12[%dma_wait3A_527, %dma_wait3A_528] : memref<128x6144xf32, #tpu.memory_space<vmem_shared>> -> memref<1x6144xf32, #tpu.memory_space<vmem_shared>>
        tpu.wait_dma2 semaphore(%arg25 : memref<!tpu.dma_semaphore, #tpu.memory_space<semaphore_mem>>) src(%dma_wait3A_529 : memref<1x6144xf32, #tpu.memory_space<vmem_shared>>) dst(%dma_wait3A_526 : memref<1x6144xf32, #tpu.memory_space<hbm>>)
      } else {
      }
      %slice3A_190 = vector.extract_strided_slice %get3A_179 {offsets = [3], sizes = [1], strides = [1]} : vector<16xi32> to vector<1xi32>
      %squeeze3A_191 = vector.extract %slice3A_190[0] : i32 from vector<1xi32>
      %mul3A_192 = arith.constant 16 : i32
      %mul3A_193 = arith.muli %scan3A_174, %mul3A_192 : i32
      %add3A_194 = arith.constant 3 : i32
      %add3A_195 = arith.addi %mul3A_193, %add3A_194 : i32
      %add3A_196 = arith.addi %mul3A_0, %add3A_195 : i32
      %dma_start3A_197 = tpu.memref_slice %arg4[%add3A_196, %add3A_86] : memref<2048x24576xf32, #tpu.memory_space<hbm>> -> memref<1x6144xf32, #tpu.memory_space<hbm>>
      %dma_start3A_198 = arith.constant 0 : i32
      %dma_start3A_199 = tpu.memref_slice %arg12[%squeeze3A_191, %dma_start3A_198] : memref<128x6144xf32, #tpu.memory_space<vmem_shared>> -> memref<1x6144xf32, #tpu.memory_space<vmem_shared>>
      tpu.enqueue_dma source(%dma_start3A_199 : memref<1x6144xf32, #tpu.memory_space<vmem_shared>>) target(%dma_start3A_197 : memref<1x6144xf32, #tpu.memory_space<hbm>>) target_semaphore(%arg25 : memref<!tpu.dma_semaphore, #tpu.memory_space<semaphore_mem>>)
      %gt3A_200 = arith.constant 0 : i32
      %gt3A_201 = arith.cmpi sgt, %scan3A_174, %gt3A_200 : i32
      %convert_element_type3A_202 = arith.extui %gt3A_201 : i1 to i32
      %cond3A_203 = arith.constant 0 : i32
      %cond3A_204 = arith.cmpi ne, %convert_element_type3A_202, %cond3A_203 : i32
      scf.if %cond3A_204 {
        %sub3A = arith.constant 1 : i32
        %sub3A_520 = arith.subi %scan3A_174, %sub3A : i32
        %mul3A_521 = arith.constant 16 : i32
        %mul3A_522 = arith.muli %sub3A_520, %mul3A_521 : i32
        %add3A_523 = arith.constant 7 : i32
        %add3A_524 = arith.addi %mul3A_522, %add3A_523 : i32
        %add3A_525 = arith.addi %mul3A_0, %add3A_524 : i32
        %dma_wait3A_526 = tpu.memref_slice %arg4[%add3A_525, %add3A_86] : memref<2048x24576xf32, #tpu.memory_space<hbm>> -> memref<1x6144xf32, #tpu.memory_space<hbm>>
        %dma_wait3A_527 = arith.constant 0 : i32
        %dma_wait3A_528 = arith.constant 0 : i32
        %dma_wait3A_529 = tpu.memref_slice %arg12[%dma_wait3A_527, %dma_wait3A_528] : memref<128x6144xf32, #tpu.memory_space<vmem_shared>> -> memref<1x6144xf32, #tpu.memory_space<vmem_shared>>
        tpu.wait_dma2 semaphore(%arg26 : memref<!tpu.dma_semaphore, #tpu.memory_space<semaphore_mem>>) src(%dma_wait3A_529 : memref<1x6144xf32, #tpu.memory_space<vmem_shared>>) dst(%dma_wait3A_526 : memref<1x6144xf32, #tpu.memory_space<hbm>>)
      } else {
      }
      %slice3A_205 = vector.extract_strided_slice %get3A_179 {offsets = [7], sizes = [1], strides = [1]} : vector<16xi32> to vector<1xi32>
      %squeeze3A_206 = vector.extract %slice3A_205[0] : i32 from vector<1xi32>
      %mul3A_207 = arith.constant 16 : i32
      %mul3A_208 = arith.muli %scan3A_174, %mul3A_207 : i32
      %add3A_209 = arith.constant 7 : i32
      %add3A_210 = arith.addi %mul3A_208, %add3A_209 : i32
      %add3A_211 = arith.addi %mul3A_0, %add3A_210 : i32
      %dma_start3A_212 = tpu.memref_slice %arg4[%add3A_211, %add3A_86] : memref<2048x24576xf32, #tpu.memory_space<hbm>> -> memref<1x6144xf32, #tpu.memory_space<hbm>>
      %dma_start3A_213 = arith.constant 0 : i32
      %dma_start3A_214 = tpu.memref_slice %arg12[%squeeze3A_206, %dma_start3A_213] : memref<128x6144xf32, #tpu.memory_space<vmem_shared>> -> memref<1x6144xf32, #tpu.memory_space<vmem_shared>>
      tpu.enqueue_dma source(%dma_start3A_214 : memref<1x6144xf32, #tpu.memory_space<vmem_shared>>) target(%dma_start3A_212 : memref<1x6144xf32, #tpu.memory_space<hbm>>) target_semaphore(%arg26 : memref<!tpu.dma_semaphore, #tpu.memory_space<semaphore_mem>>)
      %gt3A_215 = arith.constant 0 : i32
      %gt3A_216 = arith.cmpi sgt, %scan3A_174, %gt3A_215 : i32
      %convert_element_type3A_217 = arith.extui %gt3A_216 : i1 to i32
      %cond3A_218 = arith.constant 0 : i32
      %cond3A_219 = arith.cmpi ne, %convert_element_type3A_217, %cond3A_218 : i32
      scf.if %cond3A_219 {
        %sub3A = arith.constant 1 : i32
        %sub3A_520 = arith.subi %scan3A_174, %sub3A : i32
        %mul3A_521 = arith.constant 16 : i32
        %mul3A_522 = arith.muli %sub3A_520, %mul3A_521 : i32
        %add3A_523 = arith.constant 11 : i32
        %add3A_524 = arith.addi %mul3A_522, %add3A_523 : i32
        %add3A_525 = arith.addi %mul3A_0, %add3A_524 : i32
        %dma_wait3A_526 = tpu.memref_slice %arg4[%add3A_525, %add3A_86] : memref<2048x24576xf32, #tpu.memory_space<hbm>> -> memref<1x6144xf32, #tpu.memory_space<hbm>>
        %dma_wait3A_527 = arith.constant 0 : i32
        %dma_wait3A_528 = arith.constant 0 : i32
        %dma_wait3A_529 = tpu.memref_slice %arg12[%dma_wait3A_527, %dma_wait3A_528] : memref<128x6144xf32, #tpu.memory_space<vmem_shared>> -> memref<1x6144xf32, #tpu.memory_space<vmem_shared>>
        tpu.wait_dma2 semaphore(%arg27 : memref<!tpu.dma_semaphore, #tpu.memory_space<semaphore_mem>>) src(%dma_wait3A_529 : memref<1x6144xf32, #tpu.memory_space<vmem_shared>>) dst(%dma_wait3A_526 : memref<1x6144xf32, #tpu.memory_space<hbm>>)
      } else {
      }
      %slice3A_220 = vector.extract_strided_slice %get3A_179 {offsets = [11], sizes = [1], strides = [1]} : vector<16xi32> to vector<1xi32>
      %squeeze3A_221 = vector.extract %slice3A_220[0] : i32 from vector<1xi32>
      %mul3A_222 = arith.constant 16 : i32
      %mul3A_223 = arith.muli %scan3A_174, %mul3A_222 : i32
      %add3A_224 = arith.constant 11 : i32
      %add3A_225 = arith.addi %mul3A_223, %add3A_224 : i32
      %add3A_226 = arith.addi %mul3A_0, %add3A_225 : i32
      %dma_start3A_227 = tpu.memref_slice %arg4[%add3A_226, %add3A_86] : memref<2048x24576xf32, #tpu.memory_space<hbm>> -> memref<1x6144xf32, #tpu.memory_space<hbm>>
      %dma_start3A_228 = arith.constant 0 : i32
      %dma_start3A_229 = tpu.memref_slice %arg12[%squeeze3A_221, %dma_start3A_228] : memref<128x6144xf32, #tpu.memory_space<vmem_shared>> -> memref<1x6144xf32, #tpu.memory_space<vmem_shared>>
      tpu.enqueue_dma source(%dma_start3A_229 : memref<1x6144xf32, #tpu.memory_space<vmem_shared>>) target(%dma_start3A_227 : memref<1x6144xf32, #tpu.memory_space<hbm>>) target_semaphore(%arg27 : memref<!tpu.dma_semaphore, #tpu.memory_space<semaphore_mem>>)
      %gt3A_230 = arith.constant 0 : i32
      %gt3A_231 = arith.cmpi sgt, %scan3A_174, %gt3A_230 : i32
      %convert_element_type3A_232 = arith.extui %gt3A_231 : i1 to i32
      %cond3A_233 = arith.constant 0 : i32
      %cond3A_234 = arith.cmpi ne, %convert_element_type3A_232, %cond3A_233 : i32
      scf.if %cond3A_234 {
        %sub3A = arith.constant 1 : i32
        %sub3A_520 = arith.subi %scan3A_174, %sub3A : i32
        %mul3A_521 = arith.constant 16 : i32
        %mul3A_522 = arith.muli %sub3A_520, %mul3A_521 : i32
        %add3A_523 = arith.constant 15 : i32
        %add3A_524 = arith.addi %mul3A_522, %add3A_523 : i32
        %add3A_525 = arith.addi %mul3A_0, %add3A_524 : i32
        %dma_wait3A_526 = tpu.memref_slice %arg4[%add3A_525, %add3A_86] : memref<2048x24576xf32, #tpu.memory_space<hbm>> -> memref<1x6144xf32, #tpu.memory_space<hbm>>
        %dma_wait3A_527 = arith.constant 0 : i32
        %dma_wait3A_528 = arith.constant 0 : i32
        %dma_wait3A_529 = tpu.memref_slice %arg12[%dma_wait3A_527, %dma_wait3A_528] : memref<128x6144xf32, #tpu.memory_space<vmem_shared>> -> memref<1x6144xf32, #tpu.memory_space<vmem_shared>>
        tpu.wait_dma2 semaphore(%arg28 : memref<!tpu.dma_semaphore, #tpu.memory_space<semaphore_mem>>) src(%dma_wait3A_529 : memref<1x6144xf32, #tpu.memory_space<vmem_shared>>) dst(%dma_wait3A_526 : memref<1x6144xf32, #tpu.memory_space<hbm>>)
      } else {
      }
      %slice3A_235 = vector.extract_strided_slice %get3A_179 {offsets = [15], sizes = [1], strides = [1]} : vector<16xi32> to vector<1xi32>
      %squeeze3A_236 = vector.extract %slice3A_235[0] : i32 from vector<1xi32>
      %mul3A_237 = arith.constant 16 : i32
      %mul3A_238 = arith.muli %scan3A_174, %mul3A_237 : i32
      %add3A_239 = arith.constant 15 : i32
      %add3A_240 = arith.addi %mul3A_238, %add3A_239 : i32
      %add3A_241 = arith.addi %mul3A_0, %add3A_240 : i32
      %dma_start3A_242 = tpu.memref_slice %arg4[%add3A_241, %add3A_86] : memref<2048x24576xf32, #tpu.memory_space<hbm>> -> memref<1x6144xf32, #tpu.memory_space<hbm>>
      %dma_start3A_243 = arith.constant 0 : i32
      %dma_start3A_244 = tpu.memref_slice %arg12[%squeeze3A_236, %dma_start3A_243] : memref<128x6144xf32, #tpu.memory_space<vmem_shared>> -> memref<1x6144xf32, #tpu.memory_space<vmem_shared>>
      tpu.enqueue_dma source(%dma_start3A_244 : memref<1x6144xf32, #tpu.memory_space<vmem_shared>>) target(%dma_start3A_242 : memref<1x6144xf32, #tpu.memory_space<hbm>>) target_semaphore(%arg28 : memref<!tpu.dma_semaphore, #tpu.memory_space<semaphore_mem>>)
      %mul3A_245 = arith.constant 16 : i32
      %mul3A_246 = arith.muli %scan3A_174, %mul3A_245 : i32
      %add3A_247 = arith.constant 0 : i32
      %add3A_248 = arith.addi %mul3A_246, %add3A_247 : i32
      %dma_wait3A_249 = arith.constant 0 : i32
      %dma_wait3A_250 = arith.constant 0 : i32
      %dma_wait3A_251 = tpu.memref_slice %arg12[%dma_wait3A_249, %dma_wait3A_250] : memref<128x6144xf32, #tpu.memory_space<vmem_shared>> -> memref<1x6144xf32, #tpu.memory_space<vmem_shared>>
      %dma_wait3A_252 = arith.constant 0 : i32
      %dma_wait3A_253 = arith.constant 0 : i32
      %dma_wait3A_254 = tpu.memref_slice %arg12[%dma_wait3A_252, %dma_wait3A_253] : memref<128x6144xf32, #tpu.memory_space<vmem_shared>> -> memref<1x6144xf32, #tpu.memory_space<vmem_shared>>
      tpu.wait_dma2 semaphore(%arg13 : memref<!tpu.dma_semaphore, #tpu.memory_space<semaphore_mem>>) src(%dma_wait3A_254 : memref<1x6144xf32, #tpu.memory_space<vmem_shared>>) dst(%arg6 : memref<1x6144xf32, #tpu.memory_space<vmem>>)
      %add3A_255 = arith.addi %mul3A_0, %add3A_248 : i32
      %dma_start3A_256 = tpu.memref_slice %arg4[%add3A_255, %add3A_86] : memref<2048x24576xf32, #tpu.memory_space<hbm>> -> memref<1x6144xf32, #tpu.memory_space<hbm>>
      %dma_start3A_257 = tpu.memref_slice %arg4[%add3A_255, %add3A_86] : memref<2048x24576xf32, #tpu.memory_space<hbm>> -> memref<1x6144xf32, #tpu.memory_space<hbm>>
      tpu.enqueue_dma source(%arg6 : memref<1x6144xf32, #tpu.memory_space<vmem>>) target(%dma_start3A_257 : memref<1x6144xf32, #tpu.memory_space<hbm>>) target_semaphore(%arg19 : memref<!tpu.dma_semaphore, #tpu.memory_space<semaphore_mem>>)
      %gt3A_258 = arith.constant 0 : i32
      %gt3A_259 = arith.cmpi sgt, %scan3A_174, %gt3A_258 : i32
      %convert_element_type3A_260 = arith.extui %gt3A_259 : i1 to i32
      %cond3A_261 = arith.constant 0 : i32
      %cond3A_262 = arith.cmpi ne, %convert_element_type3A_260, %cond3A_261 : i32
      scf.if %cond3A_262 {
        %mul3A_520 = arith.constant 16 : i32
        %mul3A_521 = arith.muli %scan3A_174, %mul3A_520 : i32
        %add3A_522 = arith.constant -3 : i32
        %add3A_523 = arith.addi %mul3A_521, %add3A_522 : i32
        %add3A_524 = arith.addi %mul3A_0, %add3A_523 : i32
        %dma_wait3A_525 = tpu.memref_slice %arg4[%add3A_524, %add3A_86] : memref<2048x24576xf32, #tpu.memory_space<hbm>> -> memref<1x6144xf32, #tpu.memory_space<hbm>>
        %dma_wait3A_526 = tpu.memref_slice %arg4[%add3A_524, %add3A_86] : memref<2048x24576xf32, #tpu.memory_space<hbm>> -> memref<1x6144xf32, #tpu.memory_space<hbm>>
        tpu.wait_dma2 semaphore(%arg23 : memref<!tpu.dma_semaphore, #tpu.memory_space<semaphore_mem>>) src(%arg10 : memref<1x6144xf32, #tpu.memory_space<vmem>>) dst(%dma_wait3A_526 : memref<1x6144xf32, #tpu.memory_space<hbm>>)
      } else {
      }
      %slice3A_263 = vector.extract_strided_slice %get3A_179 {offsets = [5], sizes = [1], strides = [1]} : vector<16xi32> to vector<1xi32>
      %squeeze3A_264 = vector.extract %slice3A_263[0] : i32 from vector<1xi32>
      %dma_start3A_265 = arith.constant 0 : i32
      %dma_start3A_266 = tpu.memref_slice %arg12[%squeeze3A_264, %dma_start3A_265] : memref<128x6144xf32, #tpu.memory_space<vmem_shared>> -> memref<1x6144xf32, #tpu.memory_space<vmem_shared>>
      %dma_start3A_267 = arith.constant 0 : i32
      %dma_start3A_268 = tpu.memref_slice %arg12[%squeeze3A_264, %dma_start3A_267] : memref<128x6144xf32, #tpu.memory_space<vmem_shared>> -> memref<1x6144xf32, #tpu.memory_space<vmem_shared>>
      tpu.enqueue_dma source(%dma_start3A_268 : memref<1x6144xf32, #tpu.memory_space<vmem_shared>>) target(%arg10 : memref<1x6144xf32, #tpu.memory_space<vmem>>) target_semaphore(%arg17 : memref<!tpu.dma_semaphore, #tpu.memory_space<semaphore_mem>>)
      %mul3A_269 = arith.constant 16 : i32
      %mul3A_270 = arith.muli %scan3A_174, %mul3A_269 : i32
      %add3A_271 = arith.constant 1 : i32
      %add3A_272 = arith.addi %mul3A_270, %add3A_271 : i32
      %dma_wait3A_273 = arith.constant 0 : i32
      %dma_wait3A_274 = arith.constant 0 : i32
      %dma_wait3A_275 = tpu.memref_slice %arg12[%dma_wait3A_273, %dma_wait3A_274] : memref<128x6144xf32, #tpu.memory_space<vmem_shared>> -> memref<1x6144xf32, #tpu.memory_space<vmem_shared>>
      %dma_wait3A_276 = arith.constant 0 : i32
      %dma_wait3A_277 = arith.constant 0 : i32
      %dma_wait3A_278 = tpu.memref_slice %arg12[%dma_wait3A_276, %dma_wait3A_277] : memref<128x6144xf32, #tpu.memory_space<vmem_shared>> -> memref<1x6144xf32, #tpu.memory_space<vmem_shared>>
      tpu.wait_dma2 semaphore(%arg14 : memref<!tpu.dma_semaphore, #tpu.memory_space<semaphore_mem>>) src(%dma_wait3A_278 : memref<1x6144xf32, #tpu.memory_space<vmem_shared>>) dst(%arg7 : memref<1x6144xf32, #tpu.memory_space<vmem>>)
      %add3A_279 = arith.addi %mul3A_0, %add3A_272 : i32
      %dma_start3A_280 = tpu.memref_slice %arg4[%add3A_279, %add3A_86] : memref<2048x24576xf32, #tpu.memory_space<hbm>> -> memref<1x6144xf32, #tpu.memory_space<hbm>>
      %dma_start3A_281 = tpu.memref_slice %arg4[%add3A_279, %add3A_86] : memref<2048x24576xf32, #tpu.memory_space<hbm>> -> memref<1x6144xf32, #tpu.memory_space<hbm>>
      tpu.enqueue_dma source(%arg7 : memref<1x6144xf32, #tpu.memory_space<vmem>>) target(%dma_start3A_281 : memref<1x6144xf32, #tpu.memory_space<hbm>>) target_semaphore(%arg20 : memref<!tpu.dma_semaphore, #tpu.memory_space<semaphore_mem>>)
      %gt3A_282 = arith.constant 0 : i32
      %gt3A_283 = arith.cmpi sgt, %scan3A_174, %gt3A_282 : i32
      %convert_element_type3A_284 = arith.extui %gt3A_283 : i1 to i32
      %cond3A_285 = arith.constant 0 : i32
      %cond3A_286 = arith.cmpi ne, %convert_element_type3A_284, %cond3A_285 : i32
      scf.if %cond3A_286 {
        %mul3A_520 = arith.constant 16 : i32
        %mul3A_521 = arith.muli %scan3A_174, %mul3A_520 : i32
        %add3A_522 = arith.constant -2 : i32
        %add3A_523 = arith.addi %mul3A_521, %add3A_522 : i32
        %add3A_524 = arith.addi %mul3A_0, %add3A_523 : i32
        %dma_wait3A_525 = tpu.memref_slice %arg4[%add3A_524, %add3A_86] : memref<2048x24576xf32, #tpu.memory_space<hbm>> -> memref<1x6144xf32, #tpu.memory_space<hbm>>
        %dma_wait3A_526 = tpu.memref_slice %arg4[%add3A_524, %add3A_86] : memref<2048x24576xf32, #tpu.memory_space<hbm>> -> memref<1x6144xf32, #tpu.memory_space<hbm>>
        tpu.wait_dma2 semaphore(%arg24 : memref<!tpu.dma_semaphore, #tpu.memory_space<semaphore_mem>>) src(%arg11 : memref<1x6144xf32, #tpu.memory_space<vmem>>) dst(%dma_wait3A_526 : memref<1x6144xf32, #tpu.memory_space<hbm>>)
      } else {
      }
      %slice3A_287 = vector.extract_strided_slice %get3A_179 {offsets = [6], sizes = [1], strides = [1]} : vector<16xi32> to vector<1xi32>
      %squeeze3A_288 = vector.extract %slice3A_287[0] : i32 from vector<1xi32>
      %dma_start3A_289 = arith.constant 0 : i32
      %dma_start3A_290 = tpu.memref_slice %arg12[%squeeze3A_288, %dma_start3A_289] : memref<128x6144xf32, #tpu.memory_space<vmem_shared>> -> memref<1x6144xf32, #tpu.memory_space<vmem_shared>>
      %dma_start3A_291 = arith.constant 0 : i32
      %dma_start3A_292 = tpu.memref_slice %arg12[%squeeze3A_288, %dma_start3A_291] : memref<128x6144xf32, #tpu.memory_space<vmem_shared>> -> memref<1x6144xf32, #tpu.memory_space<vmem_shared>>
      tpu.enqueue_dma source(%dma_start3A_292 : memref<1x6144xf32, #tpu.memory_space<vmem_shared>>) target(%arg11 : memref<1x6144xf32, #tpu.memory_space<vmem>>) target_semaphore(%arg18 : memref<!tpu.dma_semaphore, #tpu.memory_space<semaphore_mem>>)
      %mul3A_293 = arith.constant 16 : i32
      %mul3A_294 = arith.muli %scan3A_174, %mul3A_293 : i32
      %add3A_295 = arith.constant 2 : i32
      %add3A_296 = arith.addi %mul3A_294, %add3A_295 : i32
      %dma_wait3A_297 = arith.constant 0 : i32
      %dma_wait3A_298 = arith.constant 0 : i32
      %dma_wait3A_299 = tpu.memref_slice %arg12[%dma_wait3A_297, %dma_wait3A_298] : memref<128x6144xf32, #tpu.memory_space<vmem_shared>> -> memref<1x6144xf32, #tpu.memory_space<vmem_shared>>
      %dma_wait3A_300 = arith.constant 0 : i32
      %dma_wait3A_301 = arith.constant 0 : i32
      %dma_wait3A_302 = tpu.memref_slice %arg12[%dma_wait3A_300, %dma_wait3A_301] : memref<128x6144xf32, #tpu.memory_space<vmem_shared>> -> memref<1x6144xf32, #tpu.memory_space<vmem_shared>>
      tpu.wait_dma2 semaphore(%arg15 : memref<!tpu.dma_semaphore, #tpu.memory_space<semaphore_mem>>) src(%dma_wait3A_302 : memref<1x6144xf32, #tpu.memory_space<vmem_shared>>) dst(%arg8 : memref<1x6144xf32, #tpu.memory_space<vmem>>)
      %add3A_303 = arith.addi %mul3A_0, %add3A_296 : i32
      %dma_start3A_304 = tpu.memref_slice %arg4[%add3A_303, %add3A_86] : memref<2048x24576xf32, #tpu.memory_space<hbm>> -> memref<1x6144xf32, #tpu.memory_space<hbm>>
      %dma_start3A_305 = tpu.memref_slice %arg4[%add3A_303, %add3A_86] : memref<2048x24576xf32, #tpu.memory_space<hbm>> -> memref<1x6144xf32, #tpu.memory_space<hbm>>
      tpu.enqueue_dma source(%arg8 : memref<1x6144xf32, #tpu.memory_space<vmem>>) target(%dma_start3A_305 : memref<1x6144xf32, #tpu.memory_space<hbm>>) target_semaphore(%arg21 : memref<!tpu.dma_semaphore, #tpu.memory_space<semaphore_mem>>)
      %mul3A_306 = arith.constant 16 : i32
      %mul3A_307 = arith.muli %scan3A_174, %mul3A_306 : i32
      %add3A_308 = arith.constant 0 : i32
      %add3A_309 = arith.addi %mul3A_307, %add3A_308 : i32
      %add3A_310 = arith.addi %mul3A_0, %add3A_309 : i32
      %dma_wait3A_311 = tpu.memref_slice %arg4[%add3A_310, %add3A_86] : memref<2048x24576xf32, #tpu.memory_space<hbm>> -> memref<1x6144xf32, #tpu.memory_space<hbm>>
      %dma_wait3A_312 = tpu.memref_slice %arg4[%add3A_310, %add3A_86] : memref<2048x24576xf32, #tpu.memory_space<hbm>> -> memref<1x6144xf32, #tpu.memory_space<hbm>>
      tpu.wait_dma2 semaphore(%arg19 : memref<!tpu.dma_semaphore, #tpu.memory_space<semaphore_mem>>) src(%arg6 : memref<1x6144xf32, #tpu.memory_space<vmem>>) dst(%dma_wait3A_312 : memref<1x6144xf32, #tpu.memory_space<hbm>>)
      %slice3A_313 = vector.extract_strided_slice %get3A_179 {offsets = [8], sizes = [1], strides = [1]} : vector<16xi32> to vector<1xi32>
      %squeeze3A_314 = vector.extract %slice3A_313[0] : i32 from vector<1xi32>
      %dma_start3A_315 = arith.constant 0 : i32
      %dma_start3A_316 = tpu.memref_slice %arg12[%squeeze3A_314, %dma_start3A_315] : memref<128x6144xf32, #tpu.memory_space<vmem_shared>> -> memref<1x6144xf32, #tpu.memory_space<vmem_shared>>
      %dma_start3A_317 = arith.constant 0 : i32
      %dma_start3A_318 = tpu.memref_slice %arg12[%squeeze3A_314, %dma_start3A_317] : memref<128x6144xf32, #tpu.memory_space<vmem_shared>> -> memref<1x6144xf32, #tpu.memory_space<vmem_shared>>
      tpu.enqueue_dma source(%dma_start3A_318 : memref<1x6144xf32, #tpu.memory_space<vmem_shared>>) target(%arg6 : memref<1x6144xf32, #tpu.memory_space<vmem>>) target_semaphore(%arg13 : memref<!tpu.dma_semaphore, #tpu.memory_space<semaphore_mem>>)
      %mul3A_319 = arith.constant 16 : i32
      %mul3A_320 = arith.muli %scan3A_174, %mul3A_319 : i32
      %add3A_321 = arith.constant 4 : i32
      %add3A_322 = arith.addi %mul3A_320, %add3A_321 : i32
      %dma_wait3A_323 = arith.constant 0 : i32
      %dma_wait3A_324 = arith.constant 0 : i32
      %dma_wait3A_325 = tpu.memref_slice %arg12[%dma_wait3A_323, %dma_wait3A_324] : memref<128x6144xf32, #tpu.memory_space<vmem_shared>> -> memref<1x6144xf32, #tpu.memory_space<vmem_shared>>
      %dma_wait3A_326 = arith.constant 0 : i32
      %dma_wait3A_327 = arith.constant 0 : i32
      %dma_wait3A_328 = tpu.memref_slice %arg12[%dma_wait3A_326, %dma_wait3A_327] : memref<128x6144xf32, #tpu.memory_space<vmem_shared>> -> memref<1x6144xf32, #tpu.memory_space<vmem_shared>>
      tpu.wait_dma2 semaphore(%arg16 : memref<!tpu.dma_semaphore, #tpu.memory_space<semaphore_mem>>) src(%dma_wait3A_328 : memref<1x6144xf32, #tpu.memory_space<vmem_shared>>) dst(%arg9 : memref<1x6144xf32, #tpu.memory_space<vmem>>)
      %add3A_329 = arith.addi %mul3A_0, %add3A_322 : i32
      %dma_start3A_330 = tpu.memref_slice %arg4[%add3A_329, %add3A_86] : memref<2048x24576xf32, #tpu.memory_space<hbm>> -> memref<1x6144xf32, #tpu.memory_space<hbm>>
      %dma_start3A_331 = tpu.memref_slice %arg4[%add3A_329, %add3A_86] : memref<2048x24576xf32, #tpu.memory_space<hbm>> -> memref<1x6144xf32, #tpu.memory_space<hbm>>
      tpu.enqueue_dma source(%arg9 : memref<1x6144xf32, #tpu.memory_space<vmem>>) target(%dma_start3A_331 : memref<1x6144xf32, #tpu.memory_space<hbm>>) target_semaphore(%arg22 : memref<!tpu.dma_semaphore, #tpu.memory_space<semaphore_mem>>)
      %mul3A_332 = arith.constant 16 : i32
      %mul3A_333 = arith.muli %scan3A_174, %mul3A_332 : i32
      %add3A_334 = arith.constant 1 : i32
      %add3A_335 = arith.addi %mul3A_333, %add3A_334 : i32
      %add3A_336 = arith.addi %mul3A_0, %add3A_335 : i32
      %dma_wait3A_337 = tpu.memref_slice %arg4[%add3A_336, %add3A_86] : memref<2048x24576xf32, #tpu.memory_space<hbm>> -> memref<1x6144xf32, #tpu.memory_space<hbm>>
      %dma_wait3A_338 = tpu.memref_slice %arg4[%add3A_336, %add3A_86] : memref<2048x24576xf32, #tpu.memory_space<hbm>> -> memref<1x6144xf32, #tpu.memory_space<hbm>>
      tpu.wait_dma2 semaphore(%arg20 : memref<!tpu.dma_semaphore, #tpu.memory_space<semaphore_mem>>) src(%arg7 : memref<1x6144xf32, #tpu.memory_space<vmem>>) dst(%dma_wait3A_338 : memref<1x6144xf32, #tpu.memory_space<hbm>>)
      %slice3A_339 = vector.extract_strided_slice %get3A_179 {offsets = [9], sizes = [1], strides = [1]} : vector<16xi32> to vector<1xi32>
      %squeeze3A_340 = vector.extract %slice3A_339[0] : i32 from vector<1xi32>
      %dma_start3A_341 = arith.constant 0 : i32
      %dma_start3A_342 = tpu.memref_slice %arg12[%squeeze3A_340, %dma_start3A_341] : memref<128x6144xf32, #tpu.memory_space<vmem_shared>> -> memref<1x6144xf32, #tpu.memory_space<vmem_shared>>
      %dma_start3A_343 = arith.constant 0 : i32
      %dma_start3A_344 = tpu.memref_slice %arg12[%squeeze3A_340, %dma_start3A_343] : memref<128x6144xf32, #tpu.memory_space<vmem_shared>> -> memref<1x6144xf32, #tpu.memory_space<vmem_shared>>
      tpu.enqueue_dma source(%dma_start3A_344 : memref<1x6144xf32, #tpu.memory_space<vmem_shared>>) target(%arg7 : memref<1x6144xf32, #tpu.memory_space<vmem>>) target_semaphore(%arg14 : memref<!tpu.dma_semaphore, #tpu.memory_space<semaphore_mem>>)
      %mul3A_345 = arith.constant 16 : i32
      %mul3A_346 = arith.muli %scan3A_174, %mul3A_345 : i32
      %add3A_347 = arith.constant 5 : i32
      %add3A_348 = arith.addi %mul3A_346, %add3A_347 : i32
      %dma_wait3A_349 = arith.constant 0 : i32
      %dma_wait3A_350 = arith.constant 0 : i32
      %dma_wait3A_351 = tpu.memref_slice %arg12[%dma_wait3A_349, %dma_wait3A_350] : memref<128x6144xf32, #tpu.memory_space<vmem_shared>> -> memref<1x6144xf32, #tpu.memory_space<vmem_shared>>
      %dma_wait3A_352 = arith.constant 0 : i32
      %dma_wait3A_353 = arith.constant 0 : i32
      %dma_wait3A_354 = tpu.memref_slice %arg12[%dma_wait3A_352, %dma_wait3A_353] : memref<128x6144xf32, #tpu.memory_space<vmem_shared>> -> memref<1x6144xf32, #tpu.memory_space<vmem_shared>>
      tpu.wait_dma2 semaphore(%arg17 : memref<!tpu.dma_semaphore, #tpu.memory_space<semaphore_mem>>) src(%dma_wait3A_354 : memref<1x6144xf32, #tpu.memory_space<vmem_shared>>) dst(%arg10 : memref<1x6144xf32, #tpu.memory_space<vmem>>)
      %add3A_355 = arith.addi %mul3A_0, %add3A_348 : i32
      %dma_start3A_356 = tpu.memref_slice %arg4[%add3A_355, %add3A_86] : memref<2048x24576xf32, #tpu.memory_space<hbm>> -> memref<1x6144xf32, #tpu.memory_space<hbm>>
      %dma_start3A_357 = tpu.memref_slice %arg4[%add3A_355, %add3A_86] : memref<2048x24576xf32, #tpu.memory_space<hbm>> -> memref<1x6144xf32, #tpu.memory_space<hbm>>
      tpu.enqueue_dma source(%arg10 : memref<1x6144xf32, #tpu.memory_space<vmem>>) target(%dma_start3A_357 : memref<1x6144xf32, #tpu.memory_space<hbm>>) target_semaphore(%arg23 : memref<!tpu.dma_semaphore, #tpu.memory_space<semaphore_mem>>)
      %mul3A_358 = arith.constant 16 : i32
      %mul3A_359 = arith.muli %scan3A_174, %mul3A_358 : i32
      %add3A_360 = arith.constant 2 : i32
      %add3A_361 = arith.addi %mul3A_359, %add3A_360 : i32
      %add3A_362 = arith.addi %mul3A_0, %add3A_361 : i32
      %dma_wait3A_363 = tpu.memref_slice %arg4[%add3A_362, %add3A_86] : memref<2048x24576xf32, #tpu.memory_space<hbm>> -> memref<1x6144xf32, #tpu.memory_space<hbm>>
      %dma_wait3A_364 = tpu.memref_slice %arg4[%add3A_362, %add3A_86] : memref<2048x24576xf32, #tpu.memory_space<hbm>> -> memref<1x6144xf32, #tpu.memory_space<hbm>>
      tpu.wait_dma2 semaphore(%arg21 : memref<!tpu.dma_semaphore, #tpu.memory_space<semaphore_mem>>) src(%arg8 : memref<1x6144xf32, #tpu.memory_space<vmem>>) dst(%dma_wait3A_364 : memref<1x6144xf32, #tpu.memory_space<hbm>>)
      %slice3A_365 = vector.extract_strided_slice %get3A_179 {offsets = [10], sizes = [1], strides = [1]} : vector<16xi32> to vector<1xi32>
      %squeeze3A_366 = vector.extract %slice3A_365[0] : i32 from vector<1xi32>
      %dma_start3A_367 = arith.constant 0 : i32
      %dma_start3A_368 = tpu.memref_slice %arg12[%squeeze3A_366, %dma_start3A_367] : memref<128x6144xf32, #tpu.memory_space<vmem_shared>> -> memref<1x6144xf32, #tpu.memory_space<vmem_shared>>
      %dma_start3A_369 = arith.constant 0 : i32
      %dma_start3A_370 = tpu.memref_slice %arg12[%squeeze3A_366, %dma_start3A_369] : memref<128x6144xf32, #tpu.memory_space<vmem_shared>> -> memref<1x6144xf32, #tpu.memory_space<vmem_shared>>
      tpu.enqueue_dma source(%dma_start3A_370 : memref<1x6144xf32, #tpu.memory_space<vmem_shared>>) target(%arg8 : memref<1x6144xf32, #tpu.memory_space<vmem>>) target_semaphore(%arg15 : memref<!tpu.dma_semaphore, #tpu.memory_space<semaphore_mem>>)
      %mul3A_371 = arith.constant 16 : i32
      %mul3A_372 = arith.muli %scan3A_174, %mul3A_371 : i32
      %add3A_373 = arith.constant 6 : i32
      %add3A_374 = arith.addi %mul3A_372, %add3A_373 : i32
      %dma_wait3A_375 = arith.constant 0 : i32
      %dma_wait3A_376 = arith.constant 0 : i32
      %dma_wait3A_377 = tpu.memref_slice %arg12[%dma_wait3A_375, %dma_wait3A_376] : memref<128x6144xf32, #tpu.memory_space<vmem_shared>> -> memref<1x6144xf32, #tpu.memory_space<vmem_shared>>
      %dma_wait3A_378 = arith.constant 0 : i32
      %dma_wait3A_379 = arith.constant 0 : i32
      %dma_wait3A_380 = tpu.memref_slice %arg12[%dma_wait3A_378, %dma_wait3A_379] : memref<128x6144xf32, #tpu.memory_space<vmem_shared>> -> memref<1x6144xf32, #tpu.memory_space<vmem_shared>>
      tpu.wait_dma2 semaphore(%arg18 : memref<!tpu.dma_semaphore, #tpu.memory_space<semaphore_mem>>) src(%dma_wait3A_380 : memref<1x6144xf32, #tpu.memory_space<vmem_shared>>) dst(%arg11 : memref<1x6144xf32, #tpu.memory_space<vmem>>)
      %add3A_381 = arith.addi %mul3A_0, %add3A_374 : i32
      %dma_start3A_382 = tpu.memref_slice %arg4[%add3A_381, %add3A_86] : memref<2048x24576xf32, #tpu.memory_space<hbm>> -> memref<1x6144xf32, #tpu.memory_space<hbm>>
      %dma_start3A_383 = tpu.memref_slice %arg4[%add3A_381, %add3A_86] : memref<2048x24576xf32, #tpu.memory_space<hbm>> -> memref<1x6144xf32, #tpu.memory_space<hbm>>
      tpu.enqueue_dma source(%arg11 : memref<1x6144xf32, #tpu.memory_space<vmem>>) target(%dma_start3A_383 : memref<1x6144xf32, #tpu.memory_space<hbm>>) target_semaphore(%arg24 : memref<!tpu.dma_semaphore, #tpu.memory_space<semaphore_mem>>)
      %mul3A_384 = arith.constant 16 : i32
      %mul3A_385 = arith.muli %scan3A_174, %mul3A_384 : i32
      %add3A_386 = arith.constant 4 : i32
      %add3A_387 = arith.addi %mul3A_385, %add3A_386 : i32
      %add3A_388 = arith.addi %mul3A_0, %add3A_387 : i32
      %dma_wait3A_389 = tpu.memref_slice %arg4[%add3A_388, %add3A_86] : memref<2048x24576xf32, #tpu.memory_space<hbm>> -> memref<1x6144xf32, #tpu.memory_space<hbm>>
      %dma_wait3A_390 = tpu.memref_slice %arg4[%add3A_388, %add3A_86] : memref<2048x24576xf32, #tpu.memory_space<hbm>> -> memref<1x6144xf32, #tpu.memory_space<hbm>>
      tpu.wait_dma2 semaphore(%arg22 : memref<!tpu.dma_semaphore, #tpu.memory_space<semaphore_mem>>) src(%arg9 : memref<1x6144xf32, #tpu.memory_space<vmem>>) dst(%dma_wait3A_390 : memref<1x6144xf32, #tpu.memory_space<hbm>>)
      %slice3A_391 = vector.extract_strided_slice %get3A_179 {offsets = [12], sizes = [1], strides = [1]} : vector<16xi32> to vector<1xi32>
      %squeeze3A_392 = vector.extract %slice3A_391[0] : i32 from vector<1xi32>
      %dma_start3A_393 = arith.constant 0 : i32
      %dma_start3A_394 = tpu.memref_slice %arg12[%squeeze3A_392, %dma_start3A_393] : memref<128x6144xf32, #tpu.memory_space<vmem_shared>> -> memref<1x6144xf32, #tpu.memory_space<vmem_shared>>
      %dma_start3A_395 = arith.constant 0 : i32
      %dma_start3A_396 = tpu.memref_slice %arg12[%squeeze3A_392, %dma_start3A_395] : memref<128x6144xf32, #tpu.memory_space<vmem_shared>> -> memref<1x6144xf32, #tpu.memory_space<vmem_shared>>
      tpu.enqueue_dma source(%dma_start3A_396 : memref<1x6144xf32, #tpu.memory_space<vmem_shared>>) target(%arg9 : memref<1x6144xf32, #tpu.memory_space<vmem>>) target_semaphore(%arg16 : memref<!tpu.dma_semaphore, #tpu.memory_space<semaphore_mem>>)
      %mul3A_397 = arith.constant 16 : i32
      %mul3A_398 = arith.muli %scan3A_174, %mul3A_397 : i32
      %add3A_399 = arith.constant 8 : i32
      %add3A_400 = arith.addi %mul3A_398, %add3A_399 : i32
      %dma_wait3A_401 = arith.constant 0 : i32
      %dma_wait3A_402 = arith.constant 0 : i32
      %dma_wait3A_403 = tpu.memref_slice %arg12[%dma_wait3A_401, %dma_wait3A_402] : memref<128x6144xf32, #tpu.memory_space<vmem_shared>> -> memref<1x6144xf32, #tpu.memory_space<vmem_shared>>
      %dma_wait3A_404 = arith.constant 0 : i32
      %dma_wait3A_405 = arith.constant 0 : i32
      %dma_wait3A_406 = tpu.memref_slice %arg12[%dma_wait3A_404, %dma_wait3A_405] : memref<128x6144xf32, #tpu.memory_space<vmem_shared>> -> memref<1x6144xf32, #tpu.memory_space<vmem_shared>>
      tpu.wait_dma2 semaphore(%arg13 : memref<!tpu.dma_semaphore, #tpu.memory_space<semaphore_mem>>) src(%dma_wait3A_406 : memref<1x6144xf32, #tpu.memory_space<vmem_shared>>) dst(%arg6 : memref<1x6144xf32, #tpu.memory_space<vmem>>)
      %add3A_407 = arith.addi %mul3A_0, %add3A_400 : i32
      %dma_start3A_408 = tpu.memref_slice %arg4[%add3A_407, %add3A_86] : memref<2048x24576xf32, #tpu.memory_space<hbm>> -> memref<1x6144xf32, #tpu.memory_space<hbm>>
      %dma_start3A_409 = tpu.memref_slice %arg4[%add3A_407, %add3A_86] : memref<2048x24576xf32, #tpu.memory_space<hbm>> -> memref<1x6144xf32, #tpu.memory_space<hbm>>
      tpu.enqueue_dma source(%arg6 : memref<1x6144xf32, #tpu.memory_space<vmem>>) target(%dma_start3A_409 : memref<1x6144xf32, #tpu.memory_space<hbm>>) target_semaphore(%arg19 : memref<!tpu.dma_semaphore, #tpu.memory_space<semaphore_mem>>)
      %mul3A_410 = arith.constant 16 : i32
      %mul3A_411 = arith.muli %scan3A_174, %mul3A_410 : i32
      %add3A_412 = arith.constant 5 : i32
      %add3A_413 = arith.addi %mul3A_411, %add3A_412 : i32
      %add3A_414 = arith.addi %mul3A_0, %add3A_413 : i32
      %dma_wait3A_415 = tpu.memref_slice %arg4[%add3A_414, %add3A_86] : memref<2048x24576xf32, #tpu.memory_space<hbm>> -> memref<1x6144xf32, #tpu.memory_space<hbm>>
      %dma_wait3A_416 = tpu.memref_slice %arg4[%add3A_414, %add3A_86] : memref<2048x24576xf32, #tpu.memory_space<hbm>> -> memref<1x6144xf32, #tpu.memory_space<hbm>>
      tpu.wait_dma2 semaphore(%arg23 : memref<!tpu.dma_semaphore, #tpu.memory_space<semaphore_mem>>) src(%arg10 : memref<1x6144xf32, #tpu.memory_space<vmem>>) dst(%dma_wait3A_416 : memref<1x6144xf32, #tpu.memory_space<hbm>>)
      %slice3A_417 = vector.extract_strided_slice %get3A_179 {offsets = [13], sizes = [1], strides = [1]} : vector<16xi32> to vector<1xi32>
      %squeeze3A_418 = vector.extract %slice3A_417[0] : i32 from vector<1xi32>
      %dma_start3A_419 = arith.constant 0 : i32
      %dma_start3A_420 = tpu.memref_slice %arg12[%squeeze3A_418, %dma_start3A_419] : memref<128x6144xf32, #tpu.memory_space<vmem_shared>> -> memref<1x6144xf32, #tpu.memory_space<vmem_shared>>
      %dma_start3A_421 = arith.constant 0 : i32
      %dma_start3A_422 = tpu.memref_slice %arg12[%squeeze3A_418, %dma_start3A_421] : memref<128x6144xf32, #tpu.memory_space<vmem_shared>> -> memref<1x6144xf32, #tpu.memory_space<vmem_shared>>
      tpu.enqueue_dma source(%dma_start3A_422 : memref<1x6144xf32, #tpu.memory_space<vmem_shared>>) target(%arg10 : memref<1x6144xf32, #tpu.memory_space<vmem>>) target_semaphore(%arg17 : memref<!tpu.dma_semaphore, #tpu.memory_space<semaphore_mem>>)
      %mul3A_423 = arith.constant 16 : i32
      %mul3A_424 = arith.muli %scan3A_174, %mul3A_423 : i32
      %add3A_425 = arith.constant 9 : i32
      %add3A_426 = arith.addi %mul3A_424, %add3A_425 : i32
      %dma_wait3A_427 = arith.constant 0 : i32
      %dma_wait3A_428 = arith.constant 0 : i32
      %dma_wait3A_429 = tpu.memref_slice %arg12[%dma_wait3A_427, %dma_wait3A_428] : memref<128x6144xf32, #tpu.memory_space<vmem_shared>> -> memref<1x6144xf32, #tpu.memory_space<vmem_shared>>
      %dma_wait3A_430 = arith.constant 0 : i32
      %dma_wait3A_431 = arith.constant 0 : i32
      %dma_wait3A_432 = tpu.memref_slice %arg12[%dma_wait3A_430, %dma_wait3A_431] : memref<128x6144xf32, #tpu.memory_space<vmem_shared>> -> memref<1x6144xf32, #tpu.memory_space<vmem_shared>>
      tpu.wait_dma2 semaphore(%arg14 : memref<!tpu.dma_semaphore, #tpu.memory_space<semaphore_mem>>) src(%dma_wait3A_432 : memref<1x6144xf32, #tpu.memory_space<vmem_shared>>) dst(%arg7 : memref<1x6144xf32, #tpu.memory_space<vmem>>)
      %add3A_433 = arith.addi %mul3A_0, %add3A_426 : i32
      %dma_start3A_434 = tpu.memref_slice %arg4[%add3A_433, %add3A_86] : memref<2048x24576xf32, #tpu.memory_space<hbm>> -> memref<1x6144xf32, #tpu.memory_space<hbm>>
      %dma_start3A_435 = tpu.memref_slice %arg4[%add3A_433, %add3A_86] : memref<2048x24576xf32, #tpu.memory_space<hbm>> -> memref<1x6144xf32, #tpu.memory_space<hbm>>
      tpu.enqueue_dma source(%arg7 : memref<1x6144xf32, #tpu.memory_space<vmem>>) target(%dma_start3A_435 : memref<1x6144xf32, #tpu.memory_space<hbm>>) target_semaphore(%arg20 : memref<!tpu.dma_semaphore, #tpu.memory_space<semaphore_mem>>)
      %mul3A_436 = arith.constant 16 : i32
      %mul3A_437 = arith.muli %scan3A_174, %mul3A_436 : i32
      %add3A_438 = arith.constant 6 : i32
      %add3A_439 = arith.addi %mul3A_437, %add3A_438 : i32
      %add3A_440 = arith.addi %mul3A_0, %add3A_439 : i32
      %dma_wait3A_441 = tpu.memref_slice %arg4[%add3A_440, %add3A_86] : memref<2048x24576xf32, #tpu.memory_space<hbm>> -> memref<1x6144xf32, #tpu.memory_space<hbm>>
      %dma_wait3A_442 = tpu.memref_slice %arg4[%add3A_440, %add3A_86] : memref<2048x24576xf32, #tpu.memory_space<hbm>> -> memref<1x6144xf32, #tpu.memory_space<hbm>>
      tpu.wait_dma2 semaphore(%arg24 : memref<!tpu.dma_semaphore, #tpu.memory_space<semaphore_mem>>) src(%arg11 : memref<1x6144xf32, #tpu.memory_space<vmem>>) dst(%dma_wait3A_442 : memref<1x6144xf32, #tpu.memory_space<hbm>>)
      %slice3A_443 = vector.extract_strided_slice %get3A_179 {offsets = [14], sizes = [1], strides = [1]} : vector<16xi32> to vector<1xi32>
      %squeeze3A_444 = vector.extract %slice3A_443[0] : i32 from vector<1xi32>
      %dma_start3A_445 = arith.constant 0 : i32
      %dma_start3A_446 = tpu.memref_slice %arg12[%squeeze3A_444, %dma_start3A_445] : memref<128x6144xf32, #tpu.memory_space<vmem_shared>> -> memref<1x6144xf32, #tpu.memory_space<vmem_shared>>
      %dma_start3A_447 = arith.constant 0 : i32
      %dma_start3A_448 = tpu.memref_slice %arg12[%squeeze3A_444, %dma_start3A_447] : memref<128x6144xf32, #tpu.memory_space<vmem_shared>> -> memref<1x6144xf32, #tpu.memory_space<vmem_shared>>
      tpu.enqueue_dma source(%dma_start3A_448 : memref<1x6144xf32, #tpu.memory_space<vmem_shared>>) target(%arg11 : memref<1x6144xf32, #tpu.memory_space<vmem>>) target_semaphore(%arg18 : memref<!tpu.dma_semaphore, #tpu.memory_space<semaphore_mem>>)
      %mul3A_449 = arith.constant 16 : i32
      %mul3A_450 = arith.muli %scan3A_174, %mul3A_449 : i32
      %add3A_451 = arith.constant 10 : i32
      %add3A_452 = arith.addi %mul3A_450, %add3A_451 : i32
      %dma_wait3A_453 = arith.constant 0 : i32
      %dma_wait3A_454 = arith.constant 0 : i32
      %dma_wait3A_455 = tpu.memref_slice %arg12[%dma_wait3A_453, %dma_wait3A_454] : memref<128x6144xf32, #tpu.memory_space<vmem_shared>> -> memref<1x6144xf32, #tpu.memory_space<vmem_shared>>
      %dma_wait3A_456 = arith.constant 0 : i32
      %dma_wait3A_457 = arith.constant 0 : i32
      %dma_wait3A_458 = tpu.memref_slice %arg12[%dma_wait3A_456, %dma_wait3A_457] : memref<128x6144xf32, #tpu.memory_space<vmem_shared>> -> memref<1x6144xf32, #tpu.memory_space<vmem_shared>>
      tpu.wait_dma2 semaphore(%arg15 : memref<!tpu.dma_semaphore, #tpu.memory_space<semaphore_mem>>) src(%dma_wait3A_458 : memref<1x6144xf32, #tpu.memory_space<vmem_shared>>) dst(%arg8 : memref<1x6144xf32, #tpu.memory_space<vmem>>)
      %add3A_459 = arith.addi %mul3A_0, %add3A_452 : i32
      %dma_start3A_460 = tpu.memref_slice %arg4[%add3A_459, %add3A_86] : memref<2048x24576xf32, #tpu.memory_space<hbm>> -> memref<1x6144xf32, #tpu.memory_space<hbm>>
      %dma_start3A_461 = tpu.memref_slice %arg4[%add3A_459, %add3A_86] : memref<2048x24576xf32, #tpu.memory_space<hbm>> -> memref<1x6144xf32, #tpu.memory_space<hbm>>
      tpu.enqueue_dma source(%arg8 : memref<1x6144xf32, #tpu.memory_space<vmem>>) target(%dma_start3A_461 : memref<1x6144xf32, #tpu.memory_space<hbm>>) target_semaphore(%arg21 : memref<!tpu.dma_semaphore, #tpu.memory_space<semaphore_mem>>)
      %lt3A = arith.constant 7 : i32
      %lt3A_462 = arith.cmpi slt, %scan3A_174, %lt3A : i32
      %convert_element_type3A_463 = arith.extui %lt3A_462 : i1 to i32
      %cond3A_464 = arith.constant 0 : i32
      %cond3A_465 = arith.cmpi ne, %convert_element_type3A_463, %cond3A_464 : i32
      scf.if %cond3A_465 {
        %mul3A_520 = arith.constant 16 : i32
        %mul3A_521 = arith.muli %scan3A_174, %mul3A_520 : i32
        %add3A_522 = arith.constant 8 : i32
        %add3A_523 = arith.addi %mul3A_521, %add3A_522 : i32
        %add3A_524 = arith.addi %mul3A_0, %add3A_523 : i32
        %dma_wait3A_525 = tpu.memref_slice %arg4[%add3A_524, %add3A_86] : memref<2048x24576xf32, #tpu.memory_space<hbm>> -> memref<1x6144xf32, #tpu.memory_space<hbm>>
        %dma_wait3A_526 = tpu.memref_slice %arg4[%add3A_524, %add3A_86] : memref<2048x24576xf32, #tpu.memory_space<hbm>> -> memref<1x6144xf32, #tpu.memory_space<hbm>>
        tpu.wait_dma2 semaphore(%arg19 : memref<!tpu.dma_semaphore, #tpu.memory_space<semaphore_mem>>) src(%arg6 : memref<1x6144xf32, #tpu.memory_space<vmem>>) dst(%dma_wait3A_526 : memref<1x6144xf32, #tpu.memory_space<hbm>>)
        %slice3A_527 = vector.extract_strided_slice %get3A_187 {offsets = [0], sizes = [1], strides = [1]} : vector<16xi32> to vector<1xi32>
        %squeeze3A_528 = vector.extract %slice3A_527[0] : i32 from vector<1xi32>
        %dma_start3A_529 = arith.constant 0 : i32
        %dma_start3A_530 = tpu.memref_slice %arg12[%squeeze3A_528, %dma_start3A_529] : memref<128x6144xf32, #tpu.memory_space<vmem_shared>> -> memref<1x6144xf32, #tpu.memory_space<vmem_shared>>
        %dma_start3A_531 = arith.constant 0 : i32
        %dma_start3A_532 = tpu.memref_slice %arg12[%squeeze3A_528, %dma_start3A_531] : memref<128x6144xf32, #tpu.memory_space<vmem_shared>> -> memref<1x6144xf32, #tpu.memory_space<vmem_shared>>
        tpu.enqueue_dma source(%dma_start3A_532 : memref<1x6144xf32, #tpu.memory_space<vmem_shared>>) target(%arg6 : memref<1x6144xf32, #tpu.memory_space<vmem>>) target_semaphore(%arg13 : memref<!tpu.dma_semaphore, #tpu.memory_space<semaphore_mem>>)
      } else {
      }
      %mul3A_466 = arith.constant 16 : i32
      %mul3A_467 = arith.muli %scan3A_174, %mul3A_466 : i32
      %add3A_468 = arith.constant 12 : i32
      %add3A_469 = arith.addi %mul3A_467, %add3A_468 : i32
      %dma_wait3A_470 = arith.constant 0 : i32
      %dma_wait3A_471 = arith.constant 0 : i32
      %dma_wait3A_472 = tpu.memref_slice %arg12[%dma_wait3A_470, %dma_wait3A_471] : memref<128x6144xf32, #tpu.memory_space<vmem_shared>> -> memref<1x6144xf32, #tpu.memory_space<vmem_shared>>
      %dma_wait3A_473 = arith.constant 0 : i32
      %dma_wait3A_474 = arith.constant 0 : i32
      %dma_wait3A_475 = tpu.memref_slice %arg12[%dma_wait3A_473, %dma_wait3A_474] : memref<128x6144xf32, #tpu.memory_space<vmem_shared>> -> memref<1x6144xf32, #tpu.memory_space<vmem_shared>>
      tpu.wait_dma2 semaphore(%arg16 : memref<!tpu.dma_semaphore, #tpu.memory_space<semaphore_mem>>) src(%dma_wait3A_475 : memref<1x6144xf32, #tpu.memory_space<vmem_shared>>) dst(%arg9 : memref<1x6144xf32, #tpu.memory_space<vmem>>)
      %add3A_476 = arith.addi %mul3A_0, %add3A_469 : i32
      %dma_start3A_477 = tpu.memref_slice %arg4[%add3A_476, %add3A_86] : memref<2048x24576xf32, #tpu.memory_space<hbm>> -> memref<1x6144xf32, #tpu.memory_space<hbm>>
      %dma_start3A_478 = tpu.memref_slice %arg4[%add3A_476, %add3A_86] : memref<2048x24576xf32, #tpu.memory_space<hbm>> -> memref<1x6144xf32, #tpu.memory_space<hbm>>
      tpu.enqueue_dma source(%arg9 : memref<1x6144xf32, #tpu.memory_space<vmem>>) target(%dma_start3A_478 : memref<1x6144xf32, #tpu.memory_space<hbm>>) target_semaphore(%arg22 : memref<!tpu.dma_semaphore, #tpu.memory_space<semaphore_mem>>)
      %lt3A_479 = arith.constant 7 : i32
      %lt3A_480 = arith.cmpi slt, %scan3A_174, %lt3A_479 : i32
      %convert_element_type3A_481 = arith.extui %lt3A_480 : i1 to i32
      %cond3A_482 = arith.constant 0 : i32
      %cond3A_483 = arith.cmpi ne, %convert_element_type3A_481, %cond3A_482 : i32
      scf.if %cond3A_483 {
        %mul3A_520 = arith.constant 16 : i32
        %mul3A_521 = arith.muli %scan3A_174, %mul3A_520 : i32
        %add3A_522 = arith.constant 9 : i32
        %add3A_523 = arith.addi %mul3A_521, %add3A_522 : i32
        %add3A_524 = arith.addi %mul3A_0, %add3A_523 : i32
        %dma_wait3A_525 = tpu.memref_slice %arg4[%add3A_524, %add3A_86] : memref<2048x24576xf32, #tpu.memory_space<hbm>> -> memref<1x6144xf32, #tpu.memory_space<hbm>>
        %dma_wait3A_526 = tpu.memref_slice %arg4[%add3A_524, %add3A_86] : memref<2048x24576xf32, #tpu.memory_space<hbm>> -> memref<1x6144xf32, #tpu.memory_space<hbm>>
        tpu.wait_dma2 semaphore(%arg20 : memref<!tpu.dma_semaphore, #tpu.memory_space<semaphore_mem>>) src(%arg7 : memref<1x6144xf32, #tpu.memory_space<vmem>>) dst(%dma_wait3A_526 : memref<1x6144xf32, #tpu.memory_space<hbm>>)
        %slice3A_527 = vector.extract_strided_slice %get3A_187 {offsets = [1], sizes = [1], strides = [1]} : vector<16xi32> to vector<1xi32>
        %squeeze3A_528 = vector.extract %slice3A_527[0] : i32 from vector<1xi32>
        %dma_start3A_529 = arith.constant 0 : i32
        %dma_start3A_530 = tpu.memref_slice %arg12[%squeeze3A_528, %dma_start3A_529] : memref<128x6144xf32, #tpu.memory_space<vmem_shared>> -> memref<1x6144xf32, #tpu.memory_space<vmem_shared>>
        %dma_start3A_531 = arith.constant 0 : i32
        %dma_start3A_532 = tpu.memref_slice %arg12[%squeeze3A_528, %dma_start3A_531] : memref<128x6144xf32, #tpu.memory_space<vmem_shared>> -> memref<1x6144xf32, #tpu.memory_space<vmem_shared>>
        tpu.enqueue_dma source(%dma_start3A_532 : memref<1x6144xf32, #tpu.memory_space<vmem_shared>>) target(%arg7 : memref<1x6144xf32, #tpu.memory_space<vmem>>) target_semaphore(%arg14 : memref<!tpu.dma_semaphore, #tpu.memory_space<semaphore_mem>>)
      } else {
      }
      %mul3A_484 = arith.constant 16 : i32
      %mul3A_485 = arith.muli %scan3A_174, %mul3A_484 : i32
      %add3A_486 = arith.constant 13 : i32
      %add3A_487 = arith.addi %mul3A_485, %add3A_486 : i32
      %dma_wait3A_488 = arith.constant 0 : i32
      %dma_wait3A_489 = arith.constant 0 : i32
      %dma_wait3A_490 = tpu.memref_slice %arg12[%dma_wait3A_488, %dma_wait3A_489] : memref<128x6144xf32, #tpu.memory_space<vmem_shared>> -> memref<1x6144xf32, #tpu.memory_space<vmem_shared>>
      %dma_wait3A_491 = arith.constant 0 : i32
      %dma_wait3A_492 = arith.constant 0 : i32
      %dma_wait3A_493 = tpu.memref_slice %arg12[%dma_wait3A_491, %dma_wait3A_492] : memref<128x6144xf32, #tpu.memory_space<vmem_shared>> -> memref<1x6144xf32, #tpu.memory_space<vmem_shared>>
      tpu.wait_dma2 semaphore(%arg17 : memref<!tpu.dma_semaphore, #tpu.memory_space<semaphore_mem>>) src(%dma_wait3A_493 : memref<1x6144xf32, #tpu.memory_space<vmem_shared>>) dst(%arg10 : memref<1x6144xf32, #tpu.memory_space<vmem>>)
      %add3A_494 = arith.addi %mul3A_0, %add3A_487 : i32
      %dma_start3A_495 = tpu.memref_slice %arg4[%add3A_494, %add3A_86] : memref<2048x24576xf32, #tpu.memory_space<hbm>> -> memref<1x6144xf32, #tpu.memory_space<hbm>>
      %dma_start3A_496 = tpu.memref_slice %arg4[%add3A_494, %add3A_86] : memref<2048x24576xf32, #tpu.memory_space<hbm>> -> memref<1x6144xf32, #tpu.memory_space<hbm>>
      tpu.enqueue_dma source(%arg10 : memref<1x6144xf32, #tpu.memory_space<vmem>>) target(%dma_start3A_496 : memref<1x6144xf32, #tpu.memory_space<hbm>>) target_semaphore(%arg23 : memref<!tpu.dma_semaphore, #tpu.memory_space<semaphore_mem>>)
      %lt3A_497 = arith.constant 7 : i32
      %lt3A_498 = arith.cmpi slt, %scan3A_174, %lt3A_497 : i32
      %convert_element_type3A_499 = arith.extui %lt3A_498 : i1 to i32
      %cond3A_500 = arith.constant 0 : i32
      %cond3A_501 = arith.cmpi ne, %convert_element_type3A_499, %cond3A_500 : i32
      scf.if %cond3A_501 {
        %mul3A_520 = arith.constant 16 : i32
        %mul3A_521 = arith.muli %scan3A_174, %mul3A_520 : i32
        %add3A_522 = arith.constant 10 : i32
        %add3A_523 = arith.addi %mul3A_521, %add3A_522 : i32
        %add3A_524 = arith.addi %mul3A_0, %add3A_523 : i32
        %dma_wait3A_525 = tpu.memref_slice %arg4[%add3A_524, %add3A_86] : memref<2048x24576xf32, #tpu.memory_space<hbm>> -> memref<1x6144xf32, #tpu.memory_space<hbm>>
        %dma_wait3A_526 = tpu.memref_slice %arg4[%add3A_524, %add3A_86] : memref<2048x24576xf32, #tpu.memory_space<hbm>> -> memref<1x6144xf32, #tpu.memory_space<hbm>>
        tpu.wait_dma2 semaphore(%arg21 : memref<!tpu.dma_semaphore, #tpu.memory_space<semaphore_mem>>) src(%arg8 : memref<1x6144xf32, #tpu.memory_space<vmem>>) dst(%dma_wait3A_526 : memref<1x6144xf32, #tpu.memory_space<hbm>>)
        %slice3A_527 = vector.extract_strided_slice %get3A_187 {offsets = [2], sizes = [1], strides = [1]} : vector<16xi32> to vector<1xi32>
        %squeeze3A_528 = vector.extract %slice3A_527[0] : i32 from vector<1xi32>
        %dma_start3A_529 = arith.constant 0 : i32
        %dma_start3A_530 = tpu.memref_slice %arg12[%squeeze3A_528, %dma_start3A_529] : memref<128x6144xf32, #tpu.memory_space<vmem_shared>> -> memref<1x6144xf32, #tpu.memory_space<vmem_shared>>
        %dma_start3A_531 = arith.constant 0 : i32
        %dma_start3A_532 = tpu.memref_slice %arg12[%squeeze3A_528, %dma_start3A_531] : memref<128x6144xf32, #tpu.memory_space<vmem_shared>> -> memref<1x6144xf32, #tpu.memory_space<vmem_shared>>
        tpu.enqueue_dma source(%dma_start3A_532 : memref<1x6144xf32, #tpu.memory_space<vmem_shared>>) target(%arg8 : memref<1x6144xf32, #tpu.memory_space<vmem>>) target_semaphore(%arg15 : memref<!tpu.dma_semaphore, #tpu.memory_space<semaphore_mem>>)
      } else {
      }
      %mul3A_502 = arith.constant 16 : i32
      %mul3A_503 = arith.muli %scan3A_174, %mul3A_502 : i32
      %add3A_504 = arith.constant 14 : i32
      %add3A_505 = arith.addi %mul3A_503, %add3A_504 : i32
      %dma_wait3A_506 = arith.constant 0 : i32
      %dma_wait3A_507 = arith.constant 0 : i32
      %dma_wait3A_508 = tpu.memref_slice %arg12[%dma_wait3A_506, %dma_wait3A_507] : memref<128x6144xf32, #tpu.memory_space<vmem_shared>> -> memref<1x6144xf32, #tpu.memory_space<vmem_shared>>
      %dma_wait3A_509 = arith.constant 0 : i32
      %dma_wait3A_510 = arith.constant 0 : i32
      %dma_wait3A_511 = tpu.memref_slice %arg12[%dma_wait3A_509, %dma_wait3A_510] : memref<128x6144xf32, #tpu.memory_space<vmem_shared>> -> memref<1x6144xf32, #tpu.memory_space<vmem_shared>>
      tpu.wait_dma2 semaphore(%arg18 : memref<!tpu.dma_semaphore, #tpu.memory_space<semaphore_mem>>) src(%dma_wait3A_511 : memref<1x6144xf32, #tpu.memory_space<vmem_shared>>) dst(%arg11 : memref<1x6144xf32, #tpu.memory_space<vmem>>)
      %add3A_512 = arith.addi %mul3A_0, %add3A_505 : i32
      %dma_start3A_513 = tpu.memref_slice %arg4[%add3A_512, %add3A_86] : memref<2048x24576xf32, #tpu.memory_space<hbm>> -> memref<1x6144xf32, #tpu.memory_space<hbm>>
      %dma_start3A_514 = tpu.memref_slice %arg4[%add3A_512, %add3A_86] : memref<2048x24576xf32, #tpu.memory_space<hbm>> -> memref<1x6144xf32, #tpu.memory_space<hbm>>
      tpu.enqueue_dma source(%arg11 : memref<1x6144xf32, #tpu.memory_space<vmem>>) target(%dma_start3A_514 : memref<1x6144xf32, #tpu.memory_space<hbm>>) target_semaphore(%arg24 : memref<!tpu.dma_semaphore, #tpu.memory_space<semaphore_mem>>)
      %lt3A_515 = arith.constant 7 : i32
      %lt3A_516 = arith.cmpi slt, %scan3A_174, %lt3A_515 : i32
      %convert_element_type3A_517 = arith.extui %lt3A_516 : i1 to i32
      %cond3A_518 = arith.constant 0 : i32
      %cond3A_519 = arith.cmpi ne, %convert_element_type3A_517, %cond3A_518 : i32
      scf.if %cond3A_519 {
        %mul3A_520 = arith.constant 16 : i32
        %mul3A_521 = arith.muli %scan3A_174, %mul3A_520 : i32
        %add3A_522 = arith.constant 12 : i32
        %add3A_523 = arith.addi %mul3A_521, %add3A_522 : i32
        %add3A_524 = arith.addi %mul3A_0, %add3A_523 : i32
        %dma_wait3A_525 = tpu.memref_slice %arg4[%add3A_524, %add3A_86] : memref<2048x24576xf32, #tpu.memory_space<hbm>> -> memref<1x6144xf32, #tpu.memory_space<hbm>>
        %dma_wait3A_526 = tpu.memref_slice %arg4[%add3A_524, %add3A_86] : memref<2048x24576xf32, #tpu.memory_space<hbm>> -> memref<1x6144xf32, #tpu.memory_space<hbm>>
        tpu.wait_dma2 semaphore(%arg22 : memref<!tpu.dma_semaphore, #tpu.memory_space<semaphore_mem>>) src(%arg9 : memref<1x6144xf32, #tpu.memory_space<vmem>>) dst(%dma_wait3A_526 : memref<1x6144xf32, #tpu.memory_space<hbm>>)
        %slice3A_527 = vector.extract_strided_slice %get3A_187 {offsets = [4], sizes = [1], strides = [1]} : vector<16xi32> to vector<1xi32>
        %squeeze3A_528 = vector.extract %slice3A_527[0] : i32 from vector<1xi32>
        %dma_start3A_529 = arith.constant 0 : i32
        %dma_start3A_530 = tpu.memref_slice %arg12[%squeeze3A_528, %dma_start3A_529] : memref<128x6144xf32, #tpu.memory_space<vmem_shared>> -> memref<1x6144xf32, #tpu.memory_space<vmem_shared>>
        %dma_start3A_531 = arith.constant 0 : i32
        %dma_start3A_532 = tpu.memref_slice %arg12[%squeeze3A_528, %dma_start3A_531] : memref<128x6144xf32, #tpu.memory_space<vmem_shared>> -> memref<1x6144xf32, #tpu.memory_space<vmem_shared>>
        tpu.enqueue_dma source(%dma_start3A_532 : memref<1x6144xf32, #tpu.memory_space<vmem_shared>>) target(%arg9 : memref<1x6144xf32, #tpu.memory_space<vmem>>) target_semaphore(%arg16 : memref<!tpu.dma_semaphore, #tpu.memory_space<semaphore_mem>>)
      } else {
      }
    }
    %scan3A_125 = arith.constant 8 : i32
    %add3A_126 = arith.constant 120 : i32
    %add3A_127 = arith.addi %mul3A_0, %add3A_126 : i32
    %dma_wait3A_128 = tpu.memref_slice %arg4[%add3A_127, %add3A_86] : memref<2048x24576xf32, #tpu.memory_space<hbm>> -> memref<1x6144xf32, #tpu.memory_space<hbm>>
    %dma_wait3A_129 = tpu.memref_slice %arg4[%add3A_127, %add3A_86] : memref<2048x24576xf32, #tpu.memory_space<hbm>> -> memref<1x6144xf32, #tpu.memory_space<hbm>>
    tpu.wait_dma2 semaphore(%arg19 : memref<!tpu.dma_semaphore, #tpu.memory_space<semaphore_mem>>) src(%arg6 : memref<1x6144xf32, #tpu.memory_space<vmem>>) dst(%dma_wait3A_129 : memref<1x6144xf32, #tpu.memory_space<hbm>>)
    %add3A_130 = arith.constant 121 : i32
    %add3A_131 = arith.addi %mul3A_0, %add3A_130 : i32
    %dma_wait3A_132 = tpu.memref_slice %arg4[%add3A_131, %add3A_86] : memref<2048x24576xf32, #tpu.memory_space<hbm>> -> memref<1x6144xf32, #tpu.memory_space<hbm>>
    %dma_wait3A_133 = tpu.memref_slice %arg4[%add3A_131, %add3A_86] : memref<2048x24576xf32, #tpu.memory_space<hbm>> -> memref<1x6144xf32, #tpu.memory_space<hbm>>
    tpu.wait_dma2 semaphore(%arg20 : memref<!tpu.dma_semaphore, #tpu.memory_space<semaphore_mem>>) src(%arg7 : memref<1x6144xf32, #tpu.memory_space<vmem>>) dst(%dma_wait3A_133 : memref<1x6144xf32, #tpu.memory_space<hbm>>)
    %add3A_134 = arith.constant 122 : i32
    %add3A_135 = arith.addi %mul3A_0, %add3A_134 : i32
    %dma_wait3A_136 = tpu.memref_slice %arg4[%add3A_135, %add3A_86] : memref<2048x24576xf32, #tpu.memory_space<hbm>> -> memref<1x6144xf32, #tpu.memory_space<hbm>>
    %dma_wait3A_137 = tpu.memref_slice %arg4[%add3A_135, %add3A_86] : memref<2048x24576xf32, #tpu.memory_space<hbm>> -> memref<1x6144xf32, #tpu.memory_space<hbm>>
    tpu.wait_dma2 semaphore(%arg21 : memref<!tpu.dma_semaphore, #tpu.memory_space<semaphore_mem>>) src(%arg8 : memref<1x6144xf32, #tpu.memory_space<vmem>>) dst(%dma_wait3A_137 : memref<1x6144xf32, #tpu.memory_space<hbm>>)
    %add3A_138 = arith.constant 124 : i32
    %add3A_139 = arith.addi %mul3A_0, %add3A_138 : i32
    %dma_wait3A_140 = tpu.memref_slice %arg4[%add3A_139, %add3A_86] : memref<2048x24576xf32, #tpu.memory_space<hbm>> -> memref<1x6144xf32, #tpu.memory_space<hbm>>
    %dma_wait3A_141 = tpu.memref_slice %arg4[%add3A_139, %add3A_86] : memref<2048x24576xf32, #tpu.memory_space<hbm>> -> memref<1x6144xf32, #tpu.memory_space<hbm>>
    tpu.wait_dma2 semaphore(%arg22 : memref<!tpu.dma_semaphore, #tpu.memory_space<semaphore_mem>>) src(%arg9 : memref<1x6144xf32, #tpu.memory_space<vmem>>) dst(%dma_wait3A_141 : memref<1x6144xf32, #tpu.memory_space<hbm>>)
    %add3A_142 = arith.constant 125 : i32
    %add3A_143 = arith.addi %mul3A_0, %add3A_142 : i32
    %dma_wait3A_144 = tpu.memref_slice %arg4[%add3A_143, %add3A_86] : memref<2048x24576xf32, #tpu.memory_space<hbm>> -> memref<1x6144xf32, #tpu.memory_space<hbm>>
    %dma_wait3A_145 = tpu.memref_slice %arg4[%add3A_143, %add3A_86] : memref<2048x24576xf32, #tpu.memory_space<hbm>> -> memref<1x6144xf32, #tpu.memory_space<hbm>>
    tpu.wait_dma2 semaphore(%arg23 : memref<!tpu.dma_semaphore, #tpu.memory_space<semaphore_mem>>) src(%arg10 : memref<1x6144xf32, #tpu.memory_space<vmem>>) dst(%dma_wait3A_145 : memref<1x6144xf32, #tpu.memory_space<hbm>>)
    %add3A_146 = arith.constant 126 : i32
    %add3A_147 = arith.addi %mul3A_0, %add3A_146 : i32
    %dma_wait3A_148 = tpu.memref_slice %arg4[%add3A_147, %add3A_86] : memref<2048x24576xf32, #tpu.memory_space<hbm>> -> memref<1x6144xf32, #tpu.memory_space<hbm>>
    %dma_wait3A_149 = tpu.memref_slice %arg4[%add3A_147, %add3A_86] : memref<2048x24576xf32, #tpu.memory_space<hbm>> -> memref<1x6144xf32, #tpu.memory_space<hbm>>
    tpu.wait_dma2 semaphore(%arg24 : memref<!tpu.dma_semaphore, #tpu.memory_space<semaphore_mem>>) src(%arg11 : memref<1x6144xf32, #tpu.memory_space<vmem>>) dst(%dma_wait3A_149 : memref<1x6144xf32, #tpu.memory_space<hbm>>)
    %add3A_150 = arith.constant 115 : i32
    %add3A_151 = arith.addi %mul3A_0, %add3A_150 : i32
    %dma_wait3A_152 = tpu.memref_slice %arg4[%add3A_151, %add3A_86] : memref<2048x24576xf32, #tpu.memory_space<hbm>> -> memref<1x6144xf32, #tpu.memory_space<hbm>>
    %dma_wait3A_153 = arith.constant 0 : i32
    %dma_wait3A_154 = arith.constant 0 : i32
    %dma_wait3A_155 = tpu.memref_slice %arg12[%dma_wait3A_153, %dma_wait3A_154] : memref<128x6144xf32, #tpu.memory_space<vmem_shared>> -> memref<1x6144xf32, #tpu.memory_space<vmem_shared>>
    tpu.wait_dma2 semaphore(%arg25 : memref<!tpu.dma_semaphore, #tpu.memory_space<semaphore_mem>>) src(%dma_wait3A_155 : memref<1x6144xf32, #tpu.memory_space<vmem_shared>>) dst(%dma_wait3A_152 : memref<1x6144xf32, #tpu.memory_space<hbm>>)
    %add3A_156 = arith.constant 119 : i32
    %add3A_157 = arith.addi %mul3A_0, %add3A_156 : i32
    %dma_wait3A_158 = tpu.memref_slice %arg4[%add3A_157, %add3A_86] : memref<2048x24576xf32, #tpu.memory_space<hbm>> -> memref<1x6144xf32, #tpu.memory_space<hbm>>
    %dma_wait3A_159 = arith.constant 0 : i32
    %dma_wait3A_160 = arith.constant 0 : i32
    %dma_wait3A_161 = tpu.memref_slice %arg12[%dma_wait3A_159, %dma_wait3A_160] : memref<128x6144xf32, #tpu.memory_space<vmem_shared>> -> memref<1x6144xf32, #tpu.memory_space<vmem_shared>>
    tpu.wait_dma2 semaphore(%arg26 : memref<!tpu.dma_semaphore, #tpu.memory_space<semaphore_mem>>) src(%dma_wait3A_161 : memref<1x6144xf32, #tpu.memory_space<vmem_shared>>) dst(%dma_wait3A_158 : memref<1x6144xf32, #tpu.memory_space<hbm>>)
    %add3A_162 = arith.constant 123 : i32
    %add3A_163 = arith.addi %mul3A_0, %add3A_162 : i32
    %dma_wait3A_164 = tpu.memref_slice %arg4[%add3A_163, %add3A_86] : memref<2048x24576xf32, #tpu.memory_space<hbm>> -> memref<1x6144xf32, #tpu.memory_space<hbm>>
    %dma_wait3A_165 = arith.constant 0 : i32
    %dma_wait3A_166 = arith.constant 0 : i32
    %dma_wait3A_167 = tpu.memref_slice %arg12[%dma_wait3A_165, %dma_wait3A_166] : memref<128x6144xf32, #tpu.memory_space<vmem_shared>> -> memref<1x6144xf32, #tpu.memory_space<vmem_shared>>
    tpu.wait_dma2 semaphore(%arg27 : memref<!tpu.dma_semaphore, #tpu.memory_space<semaphore_mem>>) src(%dma_wait3A_167 : memref<1x6144xf32, #tpu.memory_space<vmem_shared>>) dst(%dma_wait3A_164 : memref<1x6144xf32, #tpu.memory_space<hbm>>)
    %add3A_168 = arith.constant 127 : i32
    %add3A_169 = arith.addi %mul3A_0, %add3A_168 : i32
    %dma_wait3A_170 = tpu.memref_slice %arg4[%add3A_169, %add3A_86] : memref<2048x24576xf32, #tpu.memory_space<hbm>> -> memref<1x6144xf32, #tpu.memory_space<hbm>>
    %dma_wait3A_171 = arith.constant 0 : i32
    %dma_wait3A_172 = arith.constant 0 : i32
    %dma_wait3A_173 = tpu.memref_slice %arg12[%dma_wait3A_171, %dma_wait3A_172] : memref<128x6144xf32, #tpu.memory_space<vmem_shared>> -> memref<1x6144xf32, #tpu.memory_space<vmem_shared>>
    tpu.wait_dma2 semaphore(%arg28 : memref<!tpu.dma_semaphore, #tpu.memory_space<semaphore_mem>>) src(%dma_wait3A_173 : memref<1x6144xf32, #tpu.memory_space<vmem_shared>>) dst(%dma_wait3A_170 : memref<1x6144xf32, #tpu.memory_space<hbm>>)
    return
  }
}

</mosaic_0001>

<sc_bundles>
// kernel: kernel.3.cloned.1.call-start
scs
__scs_entry_jumppad:
0x0: {  	(pc) =	sbr.rel $0x88, $3  }
0x1: {  	(tag) =	ssettag $0x0;
	lr =	simm.s32 $0x1  }
0x2: {  	[smem:$0x3F9F] =	sst lr;
	_ =	strace $0xD0000000  }
0x3: {  	_ = 	snop  }
0x4: {  	_ = 	snop  }
0x5: {  	_ = 	snop  }
0x6: {  	_ = 	snop  }
0x7: {  	_ = 	snop  }
__scs_overlays_trampoline_lowered:
0x8: {  	[smem:$0x3FAE] =	sst s0  }
0x9: {  	[smem:$0x3FAF] =	sst s1  }
0xa: {  	[smem:$0x3FB0] =	sst s2  }
0xb: {  	[smem:$0x3FB1] =	sst s3  }
0xc: {  	[smem:$0x3FB2] =	sst s4  }
0xd: {  	[smem:$0x3FB3] =	sst s5  }
0xe: {  	[smem:$0x3FB4] =	sst s6  }
0xf: {  	[smem:$0x3FB5] =	sst s7  }
0x10: {  	[smem:$0x3FB6] =	sst s8  }
0x11: {  	[smem:$0x3FB7] =	sst s9;
	s0 =	simm.s32 @!p0 $0x0  }
0x12: {  	s1 =	sld [smem:$0x3F9D];
	s0 =	simm.s32 @p0 $0x1  }
0x13: {  	[smem:$0x3FB8] =	sst s0;
	s0 =	simm.s32 @!p1 $0x0  }
0x14: {  	s2 =	sld [smem:$0x3F9C];
	s0 =	simm.s32 @p1 $0x1  }
0x15: {  	[smem:$0x3FB9] =	sst s0;
	s0 =	simm.s32 @!p2 $0x0  }
0x16: {  	s3 =	sld [smem:$0x3FDB];
	s0 =	simm.s32 @p2 $0x1  }
0x17: {  	s4 =	simm.s32 $0x1BF5;
	[smem:$0x3FBB] =	sst s0  }
0x18: {  	s0 =	sld [smem:$0x3F9E];
	_ =	swait.ge [sflag:s4], $0x0  }
0x19: {  	s7 =	sld [smem:$0x3F9F]  }
0x1a: {  	s8 =	sadd.s32 $0xFFFFE003, lr  }
0x1b: {  	s9 =	sadd.s32 $0xFFFFFEF7, lr;
	s5 =	simm.s32 $0xFFFFFFFF;
	p2 =	slt.u32 s8, $0xFFFFF086  }
0x1c: {  	p1 =	slt.u32 s9, $0xF7A;
	s5 =	simm.s32 @!p2 $0x0  }
0x1d: {  	s5 =	simm.s32 @p1 $0x1;
	p0 =	seq.s32 s7, s2  }
0x1e: {  	s7 =	smul.u32 @!p0 $0xF7A, s2;
	p2 =	seq.s32 @!p0 s5, $0x0  }
0x1f: {  	s9 =	smul.u32 $0xF7A, s1;
	s8 =	simm.s32 @!p0 $0x1BF5;
	p2 =	por !p2, p0  }
0x20: {  	[sflag:s8] =	ssyncset.s32 @!p0 $0xFFFFF086;
	s6 =	sadd.s32 @!p0 s3, s7;
	s7 =	simm.s32 @!p0 $0x108  }
0x21: {  	s3 =	sadd.s32 s3, s9;
	s6 =	sadd.s32 @!p0 $0x88, s6;
	s7 =	simm.s32 @p2 $0x1082  }
0x22: {  	[simem:s7], [sflag:s8] =	dma.local @!p0 [hbm:s6], $0xF7A  }
0x23: {  	s9 =	sor.u32 $0xD0000000, s2;
	s6 =	simm.s32 $0x108;
	_ =	swait.ge @!p0 [sflag:s8], $0x0  }
0x24: {  	s3 =	sadd.s32 $0x88, s3;
	s6 =	simm.s32 @!p1 $0x1082;
	[sflag:s4] =	ssyncset.s32 $0xFFFFF086  }
0x25: {  	[simem:s6], [sflag:s4] =	dma.local [hbm:s3], $0xF7A  }
0x26: {  	[smem:$0x3F9F] =	sst s1;
	(tag) =	ssettag s2;
	_ =	strace s9  }
0x27: {  	s1 =	sld [smem:$0x3FAF]  }
0x28: {  	s2 =	sld [smem:$0x3FB0]  }
0x29: {  	s4 =	sld [smem:$0x3FB2]  }
0x2a: {  	p0 =	seq.s32 s5, $0x0;
	s5 =	sld [smem:$0x3FB3]  }
0x2b: {  	s6 =	sld [smem:$0x3FB4]  }
0x2c: {  	s7 =	sld [smem:$0x3FB5]  }
0x2d: {  	s3 =	simm.s32 $0x108;
	s8 =	sld [smem:$0x3FB6]  }
0x2e: {  	s3 =	simm.s32 @!p0 $0x1082;
	s9 =	sld [smem:$0x3FB7]  }
0x2f: {  	lr =	sadd.s32 s0, s3;
	s0 =	sld [smem:$0x3FAE]  }
0x30: {  	s3 =	sld [smem:$0x3FB1]  }
0x31: {  	[smem:$0x3FBA] =	sst s10  }
0x32: {  	s10 =	sld [smem:$0x3FB8];
	_ =	sdelay $0x3  }
0x33: {  	p0 =	seq.s32 s10, $0x1;
	s10 =	sld [smem:$0x3FBA];
	_ =	sdelay $0x3  }
0x34: {  	[smem:$0x3FBA] =	sst s10  }
0x35: {  	s10 =	sld [smem:$0x3FB9];
	_ =	sdelay $0x3  }
0x36: {  	p1 =	seq.s32 s10, $0x1;
	s10 =	sld [smem:$0x3FBA];
	_ =	sdelay $0x3  }
0x37: {  	[smem:$0x3FBA] =	sst s10  }
0x38: {  	s10 =	sld [smem:$0x3FBB]  }
0x39: {  	_ = 	snop;
	(pc) =	sbr.ind lr, $3  }
0x3a: {  	_ = 	snop  }
0x3b: {  	_ = 	snop  }
0x3c: {  	p2 =	seq.s32 s10, $0x1;
	s10 =	sld [smem:$0x3FBA]  }
0x3d: {  	_ =	shalt  }
0x3e: {  	_ =	shalt  }
0x3f: {  	_ =	shalt  }
0x40: {  	_ =	shalt  }
0x41: {  	_ =	shalt  }
0x42: {  	_ =	shalt  }
0x43: {  	_ =	shalt  }
0x44: {  	_ =	shalt  }
0x45: {  	_ =	shalt  }
0x46: {  	_ =	shalt  }
0x47: {  	_ =	shalt  }
0x48: {  	_ =	shalt  }
0x49: {  	_ =	shalt  }
0x4a: {  	_ =	shalt  }
0x4b: {  	_ =	shalt  }
0x4c: {  	_ =	shalt  }
0x4d: {  	_ =	shalt  }
0x4e: {  	_ =	shalt  }
0x4f: {  	_ =	shalt  }
0x50: {  	_ =	shalt  }
0x51: {  	_ =	shalt  }
0x52: {  	_ =	shalt  }
0x53: {  	_ =	shalt  }
0x54: {  	_ =	shalt  }
0x55: {  	_ =	shalt  }
0x56: {  	_ =	shalt  }
0x57: {  	_ =	shalt  }
0x58: {  	_ =	shalt  }
0x59: {  	_ =	shalt  }
0x5a: {  	_ =	shalt  }
0x5b: {  	_ =	shalt  }
0x5c: {  	_ =	shalt  }
0x5d: {  	_ =	shalt  }
0x5e: {  	_ =	shalt  }
0x5f: {  	_ =	shalt  }
0x60: {  	_ =	shalt  }
0x61: {  	_ =	shalt  }
0x62: {  	_ =	shalt  }
0x63: {  	_ =	shalt  }
0x64: {  	_ =	shalt  }
0x65: {  	_ =	shalt  }
0x66: {  	_ =	shalt  }
0x67: {  	_ =	shalt  }
0x68: {  	_ =	shalt  }
0x69: {  	_ =	shalt  }
0x6a: {  	_ =	shalt  }
0x6b: {  	_ =	shalt  }
0x6c: {  	_ =	shalt  }
0x6d: {  	_ =	shalt  }
0x6e: {  	_ =	shalt  }
0x6f: {  	_ =	shalt  }
0x70: {  	_ =	shalt  }
0x71: {  	_ =	shalt  }
0x72: {  	_ =	shalt  }
0x73: {  	_ =	shalt  }
0x74: {  	_ =	shalt  }
0x75: {  	_ =	shalt  }
0x76: {  	_ =	shalt  }
0x77: {  	_ =	shalt  }
0x78: {  	_ =	shalt  }
0x79: {  	_ =	shalt  }
0x7a: {  	_ =	shalt  }
0x7b: {  	_ =	shalt  }
0x7c: {  	_ =	shalt  }
0x7d: {  	_ =	shalt  }
0x7e: {  	_ =	shalt  }
0x7f: {  	_ =	shalt  }
0x80: {  	_ =	shalt  }
0x81: {  	_ =	shalt  }
0x82: {  	_ =	shalt  }
0x83: {  	_ =	shalt  }
0x84: {  	_ =	shalt  }
0x85: {  	_ =	shalt  }
0x86: {  	_ =	shalt  }
0x87: {  	_ =	shalt  }
.Lfunc_end0:
.L_simem_size_0:
called_computation_lowered:
.L_overlay_start_0:
0x88: {  	s2 =	sld [smem:$0x3FD9]  }
0x89: {  	s3 =	sld [smem:$0x3FFE];
	_ =	sdelay $0x1  }
0x8a: {  	s1 =	srdreg.scid  }
0x8b: {  	s0 =	sand.u32 $0x1, s1  }
0x8c: {  	s18 =	sshll.u32 s0, $0xA;
	s2 =	sadd.s32 s3, s2  }
0x8d: {  	s2 =	sadd.s32 s2, s18  }
0x8e: {  	[smem:$0x3FC6] =	sst s2  }
0x8f: {  	_ = 	snop  }
0x90: {  	s2 =	sld [smem:$0x3FC9]  }
0x91: {  	s19 =	sld [smem:$0x3FC8]  }
0x92: {  	s4 =	sld [smem:$0x3FD0];
	(tm) =	ssettm $0x1  }
0x93: {  	s5 =	sld [smem:$0x3FFB];
	_ =	sdelay $0x3  }
0x94: {  	_ =	strace s5  }
0x95: {  	s5 =	sld [smem:$0x3FFC];
	_ =	sdelay $0x3  }
0x96: {  	_ =	strace s5  }
0x97: {  	s5 =	sld [smem:$0x3FFD];
	_ =	sdelay $0x3  }
0x98: {  	_ =	strace s5  }
0x99: {  	_ =	strace $0x8FFFFFFF  }
0x9a: {  	s20 =	sld [smem:$0x3FDB];
	_ =	sdelay $0x1  }
0x9b: {  	s6 =	simm.s32 $_scs_section_size  }
0x9c: {  	s7 =	simm.s32 $_size__tile_overlayer_lowered;
	s8 =	simm.s32 $_tile_overlayer_lowered  }
0x9d: {  	s23 =	simm.s32 $0x1BFF;
	s22 =	sshll.u32 s8, $0x1;
	s5 =	sadd.s32 s6, s20  }
0x9e: {  	s9 =	simm.s32 $0x0;
	s21 =	sshll.u32 s7, $0x1;
	s7 =	sadd.s32 s22, s5  }
0x9f: {  	[timem:s9], [sflag:s23] =	dma.local [hbm:s7], s21  }
0xa0: {  	_ =	swait.ge [sflag:s23], s21  }
0xa1: {  	s6 =	ssub.s32 $0x0, s21;
	[sflag:s23] =	ssyncset.done $0x0  }
0xa2: {  	[sflag:s23] =	ssyncadd.s32 s6;
	_ =	sdelay $0x1  }
0xa3: {  	s24 =	simm.s32 $0x1B8B  }
0xa4: {  	_ =	swait.ge [sflag:s24], $0x1  }
0xa5: {  	[sflag:s24] =	ssyncset.done $0x0  }
0xa6: {  	s25 =	simm.s32 $0x1B8E;
	[sflag:s24] =	ssyncadd.s32 $0xFFFFFFFF  }
0xa7: {  	s26 =	simm.s32 $execute0_lowered;
	[smem:$0x3FD2] =	sst s25  }
0xa8: {  	s6 =	sshll.u32 s26, $0x1;
	_ =	strace $0x80000046;
	[dreg:$0x1] =	wrdreg $0xFFFFFFFF  }
0xa9: {  	s28 =	simm.s32 $_size_execute0_lowered;
	s5 =	sadd.s32 s5, s6;
	[dreg:$0x0] =	wrdreg $0x0  }
0xaa: {  	s6 =	sshll.u32 s28, $0x1;
	[dreg:$0x2] =	wrdreg s5  }
0xab: {  	[dreg:$0x3] =	wrdreg s6  }
0xac: {  	[dreg:$0x4] =	wrdreg $0xC0  }
0xad: {  	_ =	task [dreg:s9], $0x5FFFF  }
0xae: {  	[dreg:$0x1] =	wrdreg $0xFFFFFFFF  }
0xaf: {  	[dreg:$0x0] =	wrdreg $0x60  }
0xb0: {  	[dreg:$0x2] =	wrdreg s2  }
0xb1: {  	[dreg:$0x3] =	wrdreg s19  }
0xb2: {  	[dreg:$0x4] =	wrdreg s4  }
0xb3: {  	[dreg:$0x5] =	wrdreg $0x90800  }
0xb4: {  	[dreg:$0x6] =	wrdreg $0x9  }
0xb5: {  	_ =	task.clear_ibuf [dreg:s9], $0x7FFFF;
	_ =	strace $0x90000046  }
0xb6: {  	s29 =	simm.s32 $0x9;
	_ =	strace $0x80000048  }
0xb7: {  	_ =	swait.ge [sflag:s29], $0x1  }
0xb8: {  	[sflag:s29] =	ssyncadd.s32 $0xFFFFFFFF  }
0xb9: {  	_ =	strace $0x90000048  }
0xba: {  	_ =	sfence  }
0xbb: {  	s30 =	sld [smem:$0x0];
	_ =	sdelay $0x2  }
0xbc: {  	s31 =	sshll.u32 s1, $0xD;
	s1 =	sshrl.u32 s1, $0x2  }
0xbd: {  	s3 =	sand.u32 $0x4000, s31;
	s1 =	sadd.s32 s1, s30  }
0xbe: {  	s0 =	sor.u32 s3, s0;
	s1 =	sshll.u32 s1, $0x11  }
0xbf: {  	s0 =	sor.u32 s1, s0  }
0xc0: {  	s0 =	sadd.s32 $0x8F2B, s0  }
0xc1: {  	[sflag:s0] =	ssyncadd.remote.s32 $0x1  }
0xc2: {  	_ =	sfence.sel $0xFFFF  }
0xc3: {  	[dreg:$0x0] =	wrdreg $0xFFFFFFFF;
	(pc) =	sbr.abs _section_cstart, $3  }
0xc4: {  	[dreg:$0x1] =	wrdreg $0xFFFFFFFF  }
0xc5: {  	_ =	task.clear_ibuf [dreg:s9], $0x2FFFF;
	_ =	strace $0x9FFFFFFF  }
0xc6: {  	(tm) =	ssettm $0x7FFFFFFF  }
0xc7: {  	_ =	shalt  }
tec
execute0_lowered:
.L_overlay_start_1:
0x0: {  	(tag) =	ssettag $0x1  }
0x1: {  	s0 =	rddreg [dreg:$0x0]  }
0x2: {  	s1 =	rddreg [dreg:$0x1]  }
0x3: {  	s3 =	rddreg [dreg:$0x2]  }
0x4: {  	s2 =	rddreg [dreg:$0x3]  }
0x5: {  	s5 =	simm.s32 $0x0;
	s4 =	srdreg.scid;
	s10 =	stileid.u32  }
0x6: {  	s30 =	simm.s32 $0x1880;
	s12 =	simm.s32 $0x4880;
	s28 =	simm.s32 $0x3  }
0x7: {  	[smem:$0x7FF] =	sst s5;
	s4 =	sand.u32 $0x1, s4;
	s15 =	smul.u32 $0x30000, s10  }
0x8: {  	s8 =	sshll.u32 s10, $0x4;
	s9 =	smul.u32 $0x300000, s10;
	_ =	strace $0x80000047  }
0x9: {  	s6 =	ssub.s32 $0x2, s4;
	s4 =	smul.u32 $0x18000, s4;
	s0 =	sadd.s32 s0, s8  }
0xa: {  	s7 =	sshrl.u32 s6, $0x1;
	[dreg:$0x5] =	wrdreg s0;
	s5 =	sshrl.u32 s15, $0x2  }
0xb: {  	s6 =	ssub.s32 s6, s7;
	s16 =	sadd.s32 s4, s15;
	s4 =	sor.u32 s4, s9  }
0xc: {  	s18 =	sadd.s32 s5, s2;
	s7 =	simm.s32 $0xC;
	s9 =	simm.s32 $0x0  }
0xd: {  	s0 =	sshrl.u32 s16, $0x3;
	s19 =	sadd.s32 $0x30000, s4;
	s21 =	smax.u32 s6, $0x1  }
0xe: {  	s22 =	sshrl.u32 s4, $0x3;
	s23 =	sadd.s32 $0x3C000, s4;
	s4 =	sadd.s32 $0xC000, s4  }
0xf: {  	s16 =	simm.s32 $0x400;
	s6 =	simm.s32 $0xB;
	s17 =	sadd.s32 s1, s0  }
0x10: {  	[dreg:$0x8] =	wrdreg s21;
	s1 =	sshrl.u32 s19, $0x3;
	s24 =	sshrl.u32 s23, $0x3  }
0x11: {  	s25 =	sshrl.u32 s4, $0x3;
	s23 =	sshll.u32 s10, $0x6;
	s0 =	sshrl.u32 s18, $0x3  }
0x12: {  	s19 =	simm.s32 $0x3080;
	s4 =	simm.s32 $0xA;
	[dreg:$0x6] =	wrdreg s17  }
0x13: {  	s18 =	simm.s32 $0x4880;
	s20 =	sadd.s32 $0x1800, s17;
	[dreg:$0xf] =	wrdreg s0  }
0x14: {  	s1 =	sadd.s32 s1, s3;
	s26 =	sor.u32 $0x1C11, s23;
	[dreg:$0xc] =	wrdreg s23  }
0x15: {  	s17 =	simm.s32 $0x80;
	s29 =	sor.u32 $0x1C0D, s23;
	[dreg:$0x7] =	wrdreg s20  }
0x16: {  	s31 =	sor.u32 $0x1C0E, s23;
	s0 =	simm.s32 $0x5;
	[dreg:$0x9] =	wrdreg s1  }
.Ltmp0:
0x17: {  	s1 =	sadd.s32 s22, s3;
	[dreg:$0xe] =	wrdreg s26;
	(pc) =	sbr.rel .LBB2_1-.Ltmp0, $4  }
0x18: {  	s22 =	simm.s32 $0x1;
	[dreg:$0x10] =	wrdreg s31;
	s26 =	simm.s32 $0x7880  }
0x19: {  	[dreg:$0xa] =	wrdreg s1;
	s1 =	sadd.s32 s24, s3;
	s24 =	simm.s32 $0x6080  }
0x1a: {  	[dreg:$0xb] =	wrdreg s1;
	s1 =	sadd.s32 s25, s3;
	s25 =	simm.s32 $0x2  }
0x1b: {  	s3 =	simm.s32 $0x6;
	[dreg:$0xd] =	wrdreg s1;
	s1 =	simm.s32 $0x9  }
.LBB2_7:
0x1c: {  	_ =	swait.ge [sflag:s3], $0x1800  }
0x1d: {  	[sflag:s3] =	ssyncset.done $0x0  }
0x1e: {  	s5 =	simm.s32 $0x7;
	[sflag:s3] =	ssyncadd.s32 $0xFFFFE800  }
0x1f: {  	[hbm4b:s11+s17] =	stream.strided.scatter [tilespmem:s26], [sflag:$0xC], $0x1800, s16, s17, $0x38;
	[tilespmem:$0x15080] =	vst v63  }
0x20: {  	_ =	swait.ge [sflag:s5], $0x1800  }
0x21: {  	[sflag:s5] =	ssyncset.done $0x0  }
0x22: {  	s15 =	simm.s32 $0x8;
	[sflag:s5] =	ssyncadd.s32 $0xFFFFE800  }
0x23: {  	_ =	swait.ge [sflag:s15], $0x1800  }
0x24: {  	[sflag:s15] =	ssyncset.done $0x0  }
0x25: {  	[sflag:s15] =	ssyncadd.s32 $0xFFFFE800  }
0x26: {  	_ =	swait.ge [sflag:s1], $0x1800  }
0x27: {  	[sflag:s1] =	ssyncset.done $0x0  }
0x28: {  	[sflag:s1] =	ssyncadd.s32 $0xFFFFE800  }
0x29: {  	_ =	swait.ge [sflag:s4], $0x1800  }
0x2a: {  	[sflag:s4] =	ssyncset.done $0x0  }
0x2b: {  	[sflag:s4] =	ssyncadd.s32 $0xFFFFE800  }
0x2c: {  	_ =	swait.ge [sflag:s6], $0x1800  }
0x2d: {  	[sflag:s6] =	ssyncset.done $0x0  }
0x2e: {  	[sflag:s6] =	ssyncadd.s32 $0xFFFFE800  }
0x2f: {  	_ =	swait.ge [sflag:s7], $0x1800  }
0x30: {  	[sflag:s7] =	ssyncset.done $0x0  }
0x31: {  	s20 =	simm.s32 $0xD;
	[sflag:s7] =	ssyncadd.s32 $0xFFFFE800  }
0x32: {  	_ =	swait.ge [sflag:s20], $0x300  }
0x33: {  	[sflag:s20] =	ssyncset.done $0x0  }
0x34: {  	s21 =	simm.s32 $0xE;
	[sflag:s20] =	ssyncadd.s32 $0xFFFFFD00  }
0x35: {  	_ =	swait.ge [sflag:s21], $0x300  }
0x36: {  	[sflag:s21] =	ssyncset.done $0x0  }
0x37: {  	s23 =	simm.s32 $0xF;
	[sflag:s21] =	ssyncadd.s32 $0xFFFFFD00  }
0x38: {  	_ =	swait.ge [sflag:s23], $0x300  }
0x39: {  	[sflag:s23] =	ssyncset.done $0x0  }
0x3a: {  	s8 =	simm.s32 $0x10;
	[sflag:s23] =	ssyncadd.s32 $0xFFFFFD00  }
0x3b: {  	_ =	swait.ge [sflag:s8], $0x300  }
0x3c: {  	s9 =	rddreg [dreg:$0x11]  }
0x3d: {  	s31 =	rddreg [dreg:$0x8];
	s9 =	sadd.s32 $0x1, s9  }
0x3e: {  	p0 =	sne.s32 s9, s31  }
.Ltmp1:
0x3f: {  	_ = 	snop;
	(pc) =	sbr.rel @!p0 .LBB2_8-.Ltmp1, $3  }
0x40: {  	_ =	sdelay $0x1  }
0x41: {  	[sflag:s8] =	ssyncset.done $0x0  }
0x42: {  	s12 =	simm.s32 $0x4880;
	s23 =	rddreg [dreg:$0xc];
	[sflag:s8] =	ssyncadd.s32 $0xFFFFFD00  }
.LBB2_1:
0x43: {  	[dreg:$0x11] =	wrdreg s9  }
0x44: {  	s5 =	simm.s32 $0x0;
	s8 =	rddreg [dreg:$0x5];
	s13 =	simm.s32 $0x11  }
0x45: {  	[tilespmem:s5], [sflag:$0x11] =	stream.linear.gather [hbm4b:s8+s5], $0x80, $0x38;
	[tilespmem:$0x15080] =	vst v63  }
0x46: {  	_ =	swait.ge [sflag:s13], $0x80  }
0x47: {  	s14 =	rddreg [dreg:$0x6]  }
0x48: {  	[sflag:s13] =	ssyncset.done $0x0;
	s15 =	rddreg [dreg:$0xe]  }
0x49: {  	s10 =	rddreg [dreg:$0xf];
	[sflag:s13] =	ssyncadd.s32 $0xFFFFFF80  }
0x4a: {  	[spmem:s10], [sflag:s15] =	dma.local [hbm:s14], $0x1800  }
0x4b: {  	_ =	swait.ge [sflag:s13], $0x1800  }
0x4c: {  	[sflag:s13] =	ssyncset.done $0x0  }
0x4d: {  	[sflag:s13] =	ssyncadd.s32 $0xFFFFE800  }
0x4e: {  	[bflag:$0x0] =	sbarrier.arrive $0xFFFF  }
0x4f: {  	v0 =	vld [tilespmem:$0x0];
	_ =	sdelay $0x4  }
0x50: {  	(v2sf) =	vpush v0, $0x0;
	_ =	sdelay $0x1  }
0x51: {  	(v2sf) =	vpush v0, $0x1;
	_ =	sdelay $0x1  }
0x52: {  	(v2sf) =	vpush v0, $0x2;
	_ =	sdelay $0x3  }
0x53: {  	(v2sf) =	vpush v0, $0x4;
	_ =	sdelay $0x6  }
0x54: {  	s20 =	spop (v2sf)  }
0x55: {  	s21 =	sshrl.u32 s20, $0x3  }
0x56: {  	s11 =	spop (v2sf);
	s5 =	sshll.u32 s20, $0x7;
	s9 =	smul.u32 $0x30000, s21  }
0x57: {  	s5 =	sand.u32 $0x380, s5;
	s13 =	sshrl.u32 s11, $0x3  }
0x58: {  	s8 =	spop (v2sf);
	s31 =	smul.u32 $0x30000, s13;
	s9 =	sshra.s32 s9, $0x2  }
0x59: {  	s11 =	sshll.u32 s11, $0x7;
	s10 =	sshrl.u32 s8, $0x3;
	s9 =	sadd.s32 s9, s2  }
0x5a: {  	s14 =	smul.u32 $0x30000, s10;
	s5 =	sadd.s32 s5, s9;
	s9 =	sshra.s32 s31, $0x2  }
0x5b: {  	[tilespmem:s17], [sflag:$0x1] =	stream.strided.gather [spmem:s5], $0x1800, s16, s17, $0x38;
	[tilespmem:$0x15080] =	vst v63  }
0x5c: {  	s11 =	sand.u32 $0x380, s11;
	s20 =	spop (v2sf);
	s9 =	sadd.s32 s9, s2  }
0x5d: {  	s15 =	sshra.s32 s14, $0x2;
	s5 =	sshll.u32 s8, $0x7;
	s9 =	sadd.s32 s11, s9  }
0x5e: {  	[tilespmem:s30], [sflag:$0x2] =	stream.strided.gather [spmem:s9], $0x1800, s16, s17, $0x38;
	[tilespmem:$0x15080] =	vst v63  }
0x5f: {  	s21 =	sshrl.u32 s20, $0x3;
	s5 =	sand.u32 $0x380, s5;
	s9 =	sadd.s32 s15, s2  }
0x60: {  	s30 =	smul.u32 $0x30000, s21;
	s5 =	sadd.s32 s5, s9  }
0x61: {  	[tilespmem:s19], [sflag:$0x3] =	stream.strided.gather [spmem:s5], $0x1800, s16, s17, $0x38;
	[tilespmem:$0x15080] =	vst v63  }
0x62: {  	s31 =	sshll.u32 s20, $0x7;
	s9 =	sshra.s32 s30, $0x2  }
0x63: {  	s13 =	simm.s32 $0x0;
	s5 =	sand.u32 $0x380, s31;
	s9 =	sadd.s32 s9, s2  }
0x64: {  	s14 =	simm.s32 $0x0;
	s5 =	sadd.s32 s5, s9;
	s9 =	simm.s32 $0x0  }
0x65: {  	[tilespmem:s12], [sflag:$0x4] =	stream.strided.gather [spmem:s5], $0x1800, s16, s17, $0x38;
	[tilespmem:$0x15080] =	vst v63  }
.LBB2_2:
0x66: {  	v1 =	vld [tilespmem:s9+$0x0];
	_ =	sdelay $0x1  }
0x67: {  	s5 =	smin.u32 s13, $0x60;
	p0 =	seq.s32 s14, $0x0  }
0x68: {  	v0 =	vld [tilespmem:s5+$0x10];
	s5 =	simm.s32 @!p0 $0xD  }
0x69: {  	_ =	swait.ge @!p0 [sflag:s5], $0x300  }
0x6a: {  	(v2sf) =	vpush v1, $0x3;
	_ =	sdelay $0xe  }
0x6b: {  	s11 =	spop (v2sf)  }
0x6c: {  	s15 =	sshrl.u32 s11, $0x3  }
0x6d: {  	s15 =	smul.u32 $0x30000, s15;
	_ =	sdelay $0x1  }
0x6e: {  	[sflag:s5] =	ssyncset.done @!p0 $0x0;
	s11 =	sshll.u32 s11, $0x7;
	s15 =	sshra.s32 s15, $0x2  }
0x6f: {  	s8 =	rddreg [dreg:$0xa];
	s11 =	sand.u32 $0x380, s11;
	s15 =	sadd.s32 s15, s2  }
0x70: {  	s21 =	sadd.s32 s14, s8;
	[sflag:s5] =	ssyncadd.s32 @!p0 $0xFFFFFD00;
	s11 =	sadd.s32 s11, s15  }
0x71: {  	s5 =	simm.s32 @!p0 $0xE;
	s8 =	sadd.s32 $0x30, s21;
	s11 =	sshrl.u32 s11, $0x3  }
0x72: {  	[hbm:s8@s17], [sflag:s29] =	dma.strided [spmem:s11@s17], $0x300, s22, $0x10   }
0x73: {  	_ =	swait.ge @!p0 [sflag:s5], $0x300  }
0x74: {  	(v2sf) =	vpush v1, $0x7;
	_ =	sdelay $0xe  }
0x75: {  	s10 =	spop (v2sf)  }
0x76: {  	s12 =	sshrl.u32 s10, $0x3  }
0x77: {  	s15 =	smul.u32 $0x30000, s12;
	_ =	sdelay $0x1  }
0x78: {  	s11 =	sshll.u32 s10, $0x7;
	s15 =	sshra.s32 s15, $0x2  }
0x79: {  	[sflag:s5] =	ssyncset.done @!p0 $0x0;
	s11 =	sand.u32 $0x380, s11;
	s15 =	sadd.s32 s15, s2  }
0x7a: {  	s20 =	rddreg [dreg:$0x10];
	[sflag:s5] =	ssyncadd.s32 @!p0 $0xFFFFFD00;
	s11 =	sadd.s32 s11, s15  }
0x7b: {  	s5 =	simm.s32 @!p0 $0xF;
	s15 =	sadd.s32 $0x70, s21;
	s11 =	sshrl.u32 s11, $0x3  }
0x7c: {  	[hbm:s15@s17], [sflag:s20] =	dma.strided [spmem:s11@s17], $0x300, s22, $0x10   }
0x7d: {  	_ =	swait.ge @!p0 [sflag:s5], $0x300  }
0x7e: {  	(v2sf) =	vpush v1, $0xB;
	_ =	sdelay $0xe  }
0x7f: {  	s31 =	smov.u32 s29;
	s29 =	spop (v2sf)  }
0x80: {  	s8 =	sshrl.u32 s29, $0x3  }
0x81: {  	s15 =	smul.u32 $0x30000, s8;
	_ =	sdelay $0x1  }
0x82: {  	[sflag:s5] =	ssyncset.done @!p0 $0x0;
	s11 =	sshll.u32 s29, $0x7;
	s15 =	sshra.s32 s15, $0x2  }
0x83: {  	s20 =	rddreg [dreg:$0x9];
	s11 =	sand.u32 $0x380, s11;
	s15 =	sadd.s32 s15, s2  }
0x84: {  	[sflag:s5] =	ssyncadd.s32 @!p0 $0xFFFFFD00;
	s10 =	sadd.s32 s11, s15;
	s11 =	sadd.s32 s14, s20  }
0x85: {  	s15 =	sor.u32 $0x1C0F, s23;
	s12 =	sadd.s32 $0x30, s11;
	s5 =	sshrl.u32 s10, $0x3  }
0x86: {  	[hbm:s12@s17], [sflag:s15] =	dma.strided [spmem:s5@s17], $0x300, s22, $0x10   }
0x87: {  	s5 =	simm.s32 @!p0 $0x10  }
0x88: {  	_ =	swait.ge @!p0 [sflag:s5], $0x300  }
0x89: {  	(v2sf) =	vpush v1, $0xF;
	_ =	sdelay $0xe  }
0x8a: {  	s29 =	spop (v2sf)  }
0x8b: {  	s10 =	sshrl.u32 s29, $0x3  }
0x8c: {  	s10 =	smul.u32 $0x30000, s10;
	_ =	sdelay $0x1  }
0x8d: {  	s8 =	sshll.u32 s29, $0x7;
	s10 =	sshra.s32 s10, $0x2  }
0x8e: {  	s8 =	sand.u32 $0x380, s8;
	s10 =	sadd.s32 s10, s2  }
0x8f: {  	s12 =	sadd.s32 $0x70, s11;
	[sflag:s5] =	ssyncset.done @!p0 $0x0;
	s8 =	sadd.s32 s8, s10  }
0x90: {  	[sflag:s5] =	ssyncadd.s32 @!p0 $0xFFFFFD00;
	s5 =	sor.u32 $0x1C10, s23;
	s8 =	sshrl.u32 s8, $0x3  }
0x91: {  	[hbm:s12@s17], [sflag:s5] =	dma.strided [spmem:s8@s17], $0x300, s22, $0x10   }
0x92: {  	_ =	swait.ge [sflag:s22], $0x1800  }
0x93: {  	[sflag:s22] =	ssyncset.done $0x0  }
0x94: {  	s8 =	simm.s32 @!p0 $0xB;
	[sflag:s22] =	ssyncadd.s32 $0xFFFFE800  }
0x95: {  	[hbm4b:s21+s17] =	stream.strided.scatter [tilespmem:s17], [sflag:$0x7], $0x1800, s16, s17, $0x38;
	[tilespmem:$0x15080] =	vst v63  }
0x96: {  	_ =	swait.ge @!p0 [sflag:s8], $0x1800  }
0x97: {  	(v2sf) =	vpush v1, $0x5;
	_ =	sdelay $0xe  }
0x98: {  	s29 =	spop (v2sf)  }
0x99: {  	s12 =	sshrl.u32 s29, $0x3  }
0x9a: {  	s12 =	smul.u32 $0x30000, s12;
	_ =	sdelay $0x1  }
0x9b: {  	s10 =	sshll.u32 s29, $0x7;
	s12 =	sshra.s32 s12, $0x2  }
0x9c: {  	[sflag:s8] =	ssyncset.done @!p0 $0x0;
	s10 =	sand.u32 $0x380, s10;
	s12 =	sadd.s32 s12, s2  }
0x9d: {  	[sflag:s8] =	ssyncadd.s32 @!p0 $0xFFFFE800;
	s10 =	sadd.s32 s10, s12  }
0x9e: {  	[tilespmem:s24], [sflag:$0x5] =	stream.strided.gather [spmem:s10], $0x1800, s16, s17, $0x38;
	[tilespmem:$0x15080] =	vst v63  }
0x9f: {  	_ =	swait.ge [sflag:s25], $0x1800  }
0xa0: {  	s8 =	simm.s32 @!p0 $0xC;
	[sflag:s25] =	ssyncset.done $0x0  }
0xa1: {  	s29 =	simm.s32 $0x1880;
	s12 =	sadd.s32 $0x10, s21;
	[sflag:s25] =	ssyncadd.s32 $0xFFFFE800  }
0xa2: {  	[hbm4b:s12+s17] =	stream.strided.scatter [tilespmem:s29], [sflag:$0x8], $0x1800, s16, s17, $0x38;
	[tilespmem:$0x15080] =	vst v63  }
0xa3: {  	_ =	swait.ge @!p0 [sflag:s8], $0x1800  }
0xa4: {  	(v2sf) =	vpush v1, $0x6;
	_ =	sdelay $0xe  }
0xa5: {  	s10 =	spop (v2sf)  }
0xa6: {  	s12 =	sshrl.u32 s10, $0x3  }
0xa7: {  	s12 =	smul.u32 $0x30000, s12;
	_ =	sdelay $0x1  }
0xa8: {  	s10 =	sshll.u32 s10, $0x7;
	s12 =	sshra.s32 s12, $0x2  }
0xa9: {  	[sflag:s8] =	ssyncset.done @!p0 $0x0;
	s10 =	sand.u32 $0x380, s10;
	s12 =	sadd.s32 s12, s2  }
0xaa: {  	[sflag:s8] =	ssyncadd.s32 @!p0 $0xFFFFE800;
	s10 =	sadd.s32 s10, s12  }
0xab: {  	[tilespmem:s26], [sflag:$0x6] =	stream.strided.gather [spmem:s10], $0x1800, s16, s17, $0x38;
	[tilespmem:$0x15080] =	vst v63  }
0xac: {  	_ =	swait.ge [sflag:s28], $0x1800  }
0xad: {  	[sflag:s28] =	ssyncset.done $0x0  }
0xae: {  	s12 =	sadd.s32 $0x20, s21;
	[sflag:s28] =	ssyncadd.s32 $0xFFFFE800  }
0xaf: {  	[hbm4b:s12+s17] =	stream.strided.scatter [tilespmem:s19], [sflag:$0x9], $0x1800, s16, s17, $0x38;
	[tilespmem:$0x15080] =	vst v63  }
0xb0: {  	s12 =	simm.s32 $0x7  }
0xb1: {  	_ =	swait.ge [sflag:s12], $0x1800  }
0xb2: {  	(v2sf) =	vpush v1, $0x8;
	_ =	sdelay $0xe  }
0xb3: {  	s8 =	spop (v2sf)  }
0xb4: {  	s10 =	sshrl.u32 s8, $0x3  }
0xb5: {  	s10 =	smul.u32 $0x30000, s10;
	_ =	sdelay $0x1  }
0xb6: {  	s8 =	sshll.u32 s8, $0x7;
	s10 =	sshra.s32 s10, $0x2  }
0xb7: {  	[sflag:s12] =	ssyncset.done $0x0;
	s8 =	sand.u32 $0x380, s8;
	s10 =	sadd.s32 s10, s2  }
0xb8: {  	[sflag:s12] =	ssyncadd.s32 $0xFFFFE800;
	s8 =	sadd.s32 s8, s10;
	s10 =	simm.s32 $0x4  }
0xb9: {  	[tilespmem:s17], [sflag:$0x1] =	stream.strided.gather [spmem:s8], $0x1800, s16, s17, $0x38;
	[tilespmem:$0x15080] =	vst v63  }
0xba: {  	_ =	swait.ge [sflag:s10], $0x1800  }
0xbb: {  	[sflag:s10] =	ssyncset.done $0x0  }
0xbc: {  	s12 =	sadd.s32 $0x40, s21;
	[sflag:s10] =	ssyncadd.s32 $0xFFFFE800  }
0xbd: {  	[hbm4b:s12+s17] =	stream.strided.scatter [tilespmem:s18], [sflag:$0xA], $0x1800, s16, s17, $0x38;
	[tilespmem:$0x15080] =	vst v63  }
0xbe: {  	s12 =	simm.s32 $0x8  }
0xbf: {  	_ =	swait.ge [sflag:s12], $0x1800  }
0xc0: {  	(v2sf) =	vpush v1, $0x9;
	_ =	sdelay $0xe  }
0xc1: {  	s8 =	spop (v2sf)  }
0xc2: {  	s10 =	sshrl.u32 s8, $0x3  }
0xc3: {  	s10 =	smul.u32 $0x30000, s10;
	_ =	sdelay $0x1  }
0xc4: {  	s8 =	sshll.u32 s8, $0x7;
	s10 =	sshra.s32 s10, $0x2  }
0xc5: {  	[sflag:s12] =	ssyncset.done $0x0;
	s8 =	sand.u32 $0x380, s8;
	s10 =	sadd.s32 s10, s2  }
0xc6: {  	[sflag:s12] =	ssyncadd.s32 $0xFFFFE800;
	s8 =	sadd.s32 s8, s10  }
0xc7: {  	[tilespmem:s29], [sflag:$0x2] =	stream.strided.gather [spmem:s8], $0x1800, s16, s17, $0x38;
	[tilespmem:$0x15080] =	vst v63  }
0xc8: {  	_ =	swait.ge [sflag:s0], $0x1800  }
0xc9: {  	[sflag:s0] =	ssyncset.done $0x0  }
0xca: {  	s10 =	sadd.s32 $0x50, s21;
	[sflag:s0] =	ssyncadd.s32 $0xFFFFE800  }
0xcb: {  	[hbm4b:s10+s17] =	stream.strided.scatter [tilespmem:s24], [sflag:$0xB], $0x1800, s16, s17, $0x38;
	[tilespmem:$0x15080] =	vst v63  }
0xcc: {  	_ =	swait.ge [sflag:s1], $0x1800  }
0xcd: {  	(v2sf) =	vpush v1, $0xA;
	_ =	sdelay $0xe  }
0xce: {  	s8 =	spop (v2sf)  }
0xcf: {  	s12 =	sshrl.u32 s8, $0x3  }
0xd0: {  	s10 =	smul.u32 $0x30000, s12;
	_ =	sdelay $0x1  }
0xd1: {  	s8 =	sshll.u32 s8, $0x7;
	s10 =	sshra.s32 s10, $0x2  }
0xd2: {  	[sflag:s1] =	ssyncset.done $0x0;
	s8 =	sand.u32 $0x380, s8;
	s10 =	sadd.s32 s10, s2  }
0xd3: {  	[sflag:s1] =	ssyncadd.s32 $0xFFFFE800;
	s8 =	sadd.s32 s8, s10  }
0xd4: {  	[tilespmem:s19], [sflag:$0x3] =	stream.strided.gather [spmem:s8], $0x1800, s16, s17, $0x38;
	[tilespmem:$0x15080] =	vst v63  }
0xd5: {  	_ =	swait.ge [sflag:s3], $0x1800  }
0xd6: {  	[sflag:s3] =	ssyncset.done $0x0  }
0xd7: {  	s12 =	sadd.s32 $0x60, s21;
	[sflag:s3] =	ssyncadd.s32 $0xFFFFE800  }
0xd8: {  	[hbm4b:s12+s17] =	stream.strided.scatter [tilespmem:s26], [sflag:$0xC], $0x1800, s16, s17, $0x38;
	[tilespmem:$0x15080] =	vst v63  }
0xd9: {  	_ =	swait.ge [sflag:s4], $0x1800  }
0xda: {  	(v2sf) =	vpush v1, $0xC;
	_ =	sdelay $0xe  }
0xdb: {  	s21 =	spop (v2sf)  }
0xdc: {  	s12 =	sshrl.u32 s21, $0x3  }
0xdd: {  	s10 =	smul.u32 $0x30000, s12;
	_ =	sdelay $0x1  }
0xde: {  	s8 =	sshll.u32 s21, $0x7;
	s10 =	sshra.s32 s10, $0x2  }
0xdf: {  	[sflag:s4] =	ssyncset.done $0x0;
	s8 =	sand.u32 $0x380, s8;
	s10 =	sadd.s32 s10, s2  }
0xe0: {  	[sflag:s4] =	ssyncadd.s32 $0xFFFFE800;
	s8 =	sadd.s32 s8, s10  }
0xe1: {  	[tilespmem:s18], [sflag:$0x4] =	stream.strided.gather [spmem:s8], $0x1800, s16, s17, $0x38;
	[tilespmem:$0x15080] =	vst v63  }
0xe2: {  	_ =	swait.ge [sflag:s22], $0x1800  }
0xe3: {  	[sflag:s22] =	ssyncset.done $0x0  }
0xe4: {  	[sflag:s22] =	ssyncadd.s32 $0xFFFFE800  }
0xe5: {  	[hbm4b:s11+s17] =	stream.strided.scatter [tilespmem:s17], [sflag:$0x7], $0x1800, s16, s17, $0x38;
	[tilespmem:$0x15080] =	vst v63  }
0xe6: {  	_ =	swait.ge [sflag:s6], $0x1800  }
0xe7: {  	(v2sf) =	vpush v1, $0xD;
	_ =	sdelay $0xe  }
0xe8: {  	s21 =	spop (v2sf)  }
0xe9: {  	s12 =	sshrl.u32 s21, $0x3  }
0xea: {  	s10 =	smul.u32 $0x30000, s12;
	_ =	sdelay $0x1  }
0xeb: {  	s8 =	sshll.u32 s21, $0x7;
	s10 =	sshra.s32 s10, $0x2  }
0xec: {  	[sflag:s6] =	ssyncset.done $0x0;
	s8 =	sand.u32 $0x380, s8;
	s10 =	sadd.s32 s10, s2  }
0xed: {  	[sflag:s6] =	ssyncadd.s32 $0xFFFFE800;
	s8 =	sadd.s32 s8, s10  }
0xee: {  	[tilespmem:s24], [sflag:$0x5] =	stream.strided.gather [spmem:s8], $0x1800, s16, s17, $0x38;
	[tilespmem:$0x15080] =	vst v63  }
0xef: {  	_ =	swait.ge [sflag:s25], $0x1800  }
0xf0: {  	[sflag:s25] =	ssyncset.done $0x0  }
0xf1: {  	s21 =	sadd.s32 $0x10, s11;
	[sflag:s25] =	ssyncadd.s32 $0xFFFFE800  }
0xf2: {  	[hbm4b:s21+s17] =	stream.strided.scatter [tilespmem:s29], [sflag:$0x8], $0x1800, s16, s17, $0x38;
	[tilespmem:$0x15080] =	vst v63  }
0xf3: {  	_ =	swait.ge [sflag:s7], $0x1800  }
0xf4: {  	(v2sf) =	vpush v1, $0xE;
	_ =	sdelay $0xe  }
0xf5: {  	s29 =	spop (v2sf)  }
0xf6: {  	s12 =	sshrl.u32 s29, $0x3  }
0xf7: {  	s10 =	smul.u32 $0x30000, s12;
	_ =	sdelay $0x1  }
0xf8: {  	s8 =	sshll.u32 s29, $0x7;
	s10 =	sshra.s32 s10, $0x2  }
0xf9: {  	[sflag:s7] =	ssyncset.done $0x0;
	s8 =	sand.u32 $0x380, s8;
	s10 =	sadd.s32 s10, s2  }
0xfa: {  	[sflag:s7] =	ssyncadd.s32 $0xFFFFE800;
	s8 =	sadd.s32 s8, s10  }
0xfb: {  	[tilespmem:s26], [sflag:$0x6] =	stream.strided.gather [spmem:s8], $0x1800, s16, s17, $0x38;
	[tilespmem:$0x15080] =	vst v63  }
0xfc: {  	_ =	swait.ge [sflag:s28], $0x1800  }
0xfd: {  	p0 =	seq.s32 s14, $0x54000;
	[sflag:s28] =	ssyncset.done $0x0  }
0xfe: {  	s21 =	sadd.s32 $0x20, s11;
	s8 =	simm.s32 @p0 $0x4;
	[sflag:s28] =	ssyncadd.s32 $0xFFFFE800  }
0xff: {  	[hbm4b:s21+s17] =	stream.strided.scatter [tilespmem:s19], [sflag:$0x9], $0x1800, s16, s17, $0x38;
	[tilespmem:$0x15080] =	vst v63  }
0x100: {  	s12 =	simm.s32 @p0 $0x400;
	_ =	swait.ge @p0 [sflag:s8], $0x1800  }
0x101: {  	s10 =	sadd.s32 @p0 s14, s20;
	s21 =	simm.s32 @p0 $0x4880;
	[sflag:s8] =	ssyncset.done @p0 $0x0  }
0x102: {  	[sflag:s8] =	ssyncadd.s32 @p0 $0xFFFFE800;
	s8 =	sadd.s32 @p0 $0x40, s10;
	s10 =	simm.s32 @p0 $0x80  }
0x103: {  	[hbm4b:s8+s10] =	stream.strided.scatter @p0 [tilespmem:s21], [sflag:$0xA], $0x1800, s12, s10, $0x38;
	[tilespmem:$0x15080] =	vst v63  }
0x104: {  	s8 =	simm.s32 @!p0 $0x7  }
0x105: {  	_ =	swait.ge @!p0 [sflag:s8], $0x1800  }
0x106: {  	(v2sf) =	vpush @!p0 v0, $0x0;
	_ =	sdelay $0xe  }
0x107: {  	s10 =	spop @!p0 (v2sf)  }
0x108: {  	s12 =	sshrl.u32 @!p0 s10, $0x3  }
0x109: {  	s12 =	smul.u32 @!p0 $0x30000, s12;
	_ =	sdelay $0x1  }
0x10a: {  	[sflag:s8] =	ssyncset.done @!p0 $0x0;
	s10 =	sshll.u32 @!p0 s10, $0x7;
	s12 =	sshra.s32 @!p0 s12, $0x2  }
0x10b: {  	[sflag:s8] =	ssyncadd.s32 @!p0 $0xFFFFE800;
	s8 =	sand.u32 @!p0 $0x380, s10;
	s10 =	sadd.s32 @!p0 s12, s2  }
0x10c: {  	s12 =	simm.s32 @!p0 $0x80;
	s8 =	sadd.s32 @!p0 s8, s10;
	s10 =	simm.s32 @!p0 $0x400  }
0x10d: {  	[tilespmem:s12], [sflag:$0x1] =	stream.strided.gather @!p0 [spmem:s8], $0x1800, s10, s12, $0x38;
	[tilespmem:$0x15080] =	vst v63  }
0x10e: {  	s8 =	simm.s32 @!p0 $0x4  }
0x10f: {  	_ =	swait.ge @!p0 [sflag:s8], $0x1800  }
0x110: {  	s21 =	sadd.s32 @!p0 s14, s20;
	[sflag:s8] =	ssyncset.done @!p0 $0x0  }
0x111: {  	[sflag:s8] =	ssyncadd.s32 @!p0 $0xFFFFE800;
	s8 =	sadd.s32 @!p0 $0x40, s21;
	s21 =	simm.s32 @!p0 $0x4880  }
0x112: {  	[hbm4b:s8+s12] =	stream.strided.scatter @!p0 [tilespmem:s21], [sflag:$0xA], $0x1800, s10, s12, $0x38;
	[tilespmem:$0x15080] =	vst v63  }
0x113: {  	s8 =	simm.s32 @!p0 $0x8  }
0x114: {  	_ =	swait.ge @!p0 [sflag:s8], $0x1800  }
0x115: {  	(v2sf) =	vpush @!p0 v0, $0x1;
	_ =	sdelay $0xe  }
0x116: {  	s21 =	spop @!p0 (v2sf)  }
0x117: {  	s20 =	sshrl.u32 @!p0 s21, $0x3  }
0x118: {  	s20 =	smul.u32 @!p0 $0x30000, s20;
	_ =	sdelay $0x1  }
0x119: {  	s21 =	sshll.u32 @!p0 s21, $0x7;
	s20 =	sshra.s32 @!p0 s20, $0x2  }
0x11a: {  	[sflag:s8] =	ssyncset.done @!p0 $0x0;
	s21 =	sand.u32 @!p0 $0x380, s21;
	s20 =	sadd.s32 @!p0 s20, s2  }
0x11b: {  	[sflag:s8] =	ssyncadd.s32 @!p0 $0xFFFFE800;
	s8 =	sadd.s32 @!p0 s21, s20;
	s20 =	simm.s32 @!p0 $0x1880  }
0x11c: {  	[tilespmem:s20], [sflag:$0x2] =	stream.strided.gather @!p0 [spmem:s8], $0x1800, s10, s12, $0x38;
	[tilespmem:$0x15080] =	vst v63  }
.Ltmp2:
0x11d: {  	_ = 	snop;
	(pc) =	sbr.rel @p0 .LBB2_4-.Ltmp2, $4  }
0x11e: {  	_ =	swait.ge [sflag:s0], $0x1800  }
0x11f: {  	s30 =	simm.s32 $0x1880;
	[sflag:s0] =	ssyncset.done $0x0  }
0x120: {  	s29 =	sadd.s32 $0x50, s11;
	s11 =	sadd.s32 $0x60, s11;
	[sflag:s0] =	ssyncadd.s32 $0xFFFFE800  }
0x121: {  	[hbm4b:s29+s17] =	stream.strided.scatter [tilespmem:s24], [sflag:$0xB], $0x1800, s16, s17, $0x38;
	[tilespmem:$0x15080] =	vst v63  }
0x122: {  	_ =	swait.ge [sflag:s1], $0x1800  }
0x123: {  	(v2sf) =	vpush v0, $0x2;
	_ =	sdelay $0xe  }
0x124: {  	s5 =	spop (v2sf)  }
0x125: {  	s8 =	sshrl.u32 s5, $0x3  }
0x126: {  	s8 =	smul.u32 $0x30000, s8;
	_ =	sdelay $0x1  }
0x127: {  	s5 =	sshll.u32 s5, $0x7;
	s8 =	sshra.s32 s8, $0x2  }
0x128: {  	[sflag:s1] =	ssyncset.done $0x0;
	s5 =	sand.u32 $0x380, s5;
	s8 =	sadd.s32 s8, s2  }
0x129: {  	[sflag:s1] =	ssyncadd.s32 $0xFFFFE800;
	s5 =	sadd.s32 s5, s8  }
0x12a: {  	[tilespmem:s19], [sflag:$0x3] =	stream.strided.gather [spmem:s5], $0x1800, s16, s17, $0x38;
	[tilespmem:$0x15080] =	vst v63  }
0x12b: {  	_ =	swait.ge [sflag:s3], $0x1800  }
0x12c: {  	[sflag:s3] =	ssyncset.done $0x0  }
0x12d: {  	[sflag:s3] =	ssyncadd.s32 $0xFFFFE800  }
0x12e: {  	[hbm4b:s11+s17] =	stream.strided.scatter [tilespmem:s26], [sflag:$0xC], $0x1800, s16, s17, $0x38;
	[tilespmem:$0x15080] =	vst v63  }
0x12f: {  	_ =	swait.ge [sflag:s4], $0x1800  }
0x130: {  	(v2sf) =	vpush v0, $0x4;
	_ =	sdelay $0xe  }
0x131: {  	s21 =	spop (v2sf)  }
0x132: {  	s30 =	sshrl.u32 s21, $0x3  }
0x133: {  	s8 =	smul.u32 $0x30000, s30  }
.Ltmp3:
0x134: {  	s14 =	sadd.s32 $0xC000, s14;
	s13 =	sadd.s32 $0x10, s13;
	(pc) =	sbr.rel .LBB2_2-.Ltmp3, $4  }
0x135: {  	s9 =	sadd.s32 $0x10, s9;
	s5 =	sshll.u32 s21, $0x7;
	s8 =	sshra.s32 s8, $0x2  }
0x136: {  	[sflag:s4] =	ssyncset.done $0x0;
	s5 =	sand.u32 $0x380, s5;
	s8 =	sadd.s32 s8, s2  }
0x137: {  	s29 =	smov.u32 s31;
	[sflag:s4] =	ssyncadd.s32 $0xFFFFE800;
	s5 =	sadd.s32 s5, s8  }
0x138: {  	[tilespmem:s18], [sflag:$0x4] =	stream.strided.gather [spmem:s5], $0x1800, s16, s17, $0x38;
	[tilespmem:$0x15080] =	vst v63  }
.LBB2_4:
0x139: {  	_ =	swait.ge [sflag:s3], $0x1800  }
0x13a: {  	[sflag:s3] =	ssyncset.done $0x0  }
0x13b: {  	s8 =	simm.s32 $0x7;
	[sflag:s3] =	ssyncadd.s32 $0xFFFFE800  }
0x13c: {  	[hbm4b:s11+s17] =	stream.strided.scatter [tilespmem:s26], [sflag:$0xC], $0x1800, s16, s17, $0x38;
	[tilespmem:$0x15080] =	vst v63  }
0x13d: {  	_ =	swait.ge [sflag:s8], $0x1800  }
0x13e: {  	[sflag:s8] =	ssyncset.done $0x0  }
0x13f: {  	s12 =	simm.s32 $0x8;
	[sflag:s8] =	ssyncadd.s32 $0xFFFFE800  }
0x140: {  	_ =	swait.ge [sflag:s12], $0x1800  }
0x141: {  	[sflag:s12] =	ssyncset.done $0x0  }
0x142: {  	[sflag:s12] =	ssyncadd.s32 $0xFFFFE800  }
0x143: {  	_ =	swait.ge [sflag:s1], $0x1800  }
0x144: {  	[sflag:s1] =	ssyncset.done $0x0  }
0x145: {  	[sflag:s1] =	ssyncadd.s32 $0xFFFFE800  }
0x146: {  	_ =	swait.ge [sflag:s4], $0x1800  }
0x147: {  	[sflag:s4] =	ssyncset.done $0x0  }
0x148: {  	[sflag:s4] =	ssyncadd.s32 $0xFFFFE800  }
0x149: {  	_ =	swait.ge [sflag:s6], $0x1800  }
0x14a: {  	[sflag:s6] =	ssyncset.done $0x0  }
0x14b: {  	[sflag:s6] =	ssyncadd.s32 $0xFFFFE800  }
0x14c: {  	_ =	swait.ge [sflag:s7], $0x1800  }
0x14d: {  	[sflag:s7] =	ssyncset.done $0x0  }
0x14e: {  	s13 =	simm.s32 $0xD;
	[sflag:s7] =	ssyncadd.s32 $0xFFFFE800  }
0x14f: {  	_ =	swait.ge [sflag:s13], $0x300  }
0x150: {  	[sflag:s13] =	ssyncset.done $0x0  }
0x151: {  	s14 =	simm.s32 $0xE;
	[sflag:s13] =	ssyncadd.s32 $0xFFFFFD00  }
0x152: {  	_ =	swait.ge [sflag:s14], $0x300  }
0x153: {  	[sflag:s14] =	ssyncset.done $0x0  }
0x154: {  	s20 =	simm.s32 $0xF;
	[sflag:s14] =	ssyncadd.s32 $0xFFFFFD00  }
0x155: {  	_ =	swait.ge [sflag:s20], $0x300  }
0x156: {  	[sflag:s20] =	ssyncset.done $0x0  }
0x157: {  	s21 =	simm.s32 $0x10;
	[sflag:s20] =	ssyncadd.s32 $0xFFFFFD00  }
0x158: {  	_ =	swait.ge [sflag:s21], $0x300  }
0x159: {  	[sflag:s21] =	ssyncset.done $0x0  }
0x15a: {  	[sflag:s21] =	ssyncadd.s32 $0xFFFFFD00  }
0x15b: {  	[bflag:$0x0] =	sbarrier.arrive $0xFFFF  }
0x15c: {  	s23 =	rddreg [dreg:$0x7]  }
0x15d: {  	s9 =	rddreg [dreg:$0xe]  }
0x15e: {  	s11 =	simm.s32 $0x11;
	s10 =	rddreg [dreg:$0xf]  }
0x15f: {  	[spmem:s10], [sflag:s9] =	dma.local [hbm:s23], $0x1800  }
0x160: {  	_ =	swait.ge [sflag:s11], $0x1800  }
0x161: {  	[sflag:s11] =	ssyncset.done $0x0  }
0x162: {  	[sflag:s11] =	ssyncadd.s32 $0xFFFFE800  }
0x163: {  	[bflag:$0x0] =	sbarrier.arrive $0xFFFF  }
0x164: {  	v0 =	vld [tilespmem:$0x0];
	_ =	sdelay $0x4  }
0x165: {  	(v2sf) =	vpush v0, $0x0;
	_ =	sdelay $0x1  }
0x166: {  	(v2sf) =	vpush v0, $0x1  }
0x167: {  	(v2sf) =	vpush v0, $0x2;
	_ =	sdelay $0x1  }
0x168: {  	(v2sf) =	vpush v0, $0x4;
	_ =	sdelay $0x9  }
0x169: {  	s12 =	spop (v2sf)  }
0x16a: {  	s13 =	sshrl.u32 s12, $0x3;
	s8 =	sshll.u32 s12, $0x7  }
0x16b: {  	s14 =	spop (v2sf);
	s9 =	smul.u32 $0x30000, s13;
	s8 =	sand.u32 $0x380, s8  }
0x16c: {  	s20 =	sshrl.u32 s14, $0x3;
	s23 =	spop (v2sf);
	s10 =	sshll.u32 s14, $0x7  }
0x16d: {  	s21 =	smul.u32 $0x30000, s20;
	s10 =	sand.u32 $0x380, s10;
	s9 =	sshra.s32 s9, $0x2  }
0x16e: {  	s12 =	sshrl.u32 s23, $0x3;
	s20 =	spop (v2sf);
	s9 =	sadd.s32 s9, s2  }
0x16f: {  	s13 =	smul.u32 $0x30000, s12;
	s8 =	sadd.s32 s8, s9;
	s9 =	sshra.s32 s21, $0x2  }
0x170: {  	[tilespmem:s17], [sflag:$0x1] =	stream.strided.gather [spmem:s8], $0x1800, s16, s17, $0x38;
	[tilespmem:$0x15080] =	vst v63  }
0x171: {  	s14 =	sshra.s32 s13, $0x2;
	s21 =	sshrl.u32 s20, $0x3;
	s9 =	sadd.s32 s9, s2  }
0x172: {  	s8 =	sshll.u32 s23, $0x7;
	s23 =	smul.u32 $0x30000, s21;
	s9 =	sadd.s32 s10, s9  }
0x173: {  	[tilespmem:s30], [sflag:$0x2] =	stream.strided.gather [spmem:s9], $0x1800, s16, s17, $0x38;
	[tilespmem:$0x15080] =	vst v63  }
0x174: {  	s29 =	smov.u32 s31;
	s8 =	sand.u32 $0x380, s8;
	s9 =	sadd.s32 s14, s2  }
0x175: {  	s30 =	sshll.u32 s20, $0x7;
	s8 =	sadd.s32 s8, s9;
	s9 =	sshra.s32 s23, $0x2  }
0x176: {  	[tilespmem:s19], [sflag:$0x3] =	stream.strided.gather [spmem:s8], $0x1800, s16, s17, $0x38;
	[tilespmem:$0x15080] =	vst v63  }
0x177: {  	s13 =	simm.s32 $0x0;
	s8 =	sand.u32 $0x380, s30;
	s9 =	sadd.s32 s9, s2  }
0x178: {  	s14 =	simm.s32 $0x0;
	s8 =	sadd.s32 s8, s9;
	s9 =	simm.s32 $0x0  }
0x179: {  	[tilespmem:s18], [sflag:$0x4] =	stream.strided.gather [spmem:s8], $0x1800, s16, s17, $0x38;
	[tilespmem:$0x15080] =	vst v63  }
.LBB2_5:
0x17a: {  	v1 =	vld [tilespmem:s13+$0x0];
	_ =	sdelay $0x1  }
0x17b: {  	s8 =	smin.u32 s14, $0x60;
	p0 =	seq.s32 s9, $0x0  }
0x17c: {  	v0 =	vld [tilespmem:s8+$0x10];
	s8 =	simm.s32 @!p0 $0xD  }
0x17d: {  	_ =	swait.ge @!p0 [sflag:s8], $0x300  }
0x17e: {  	(v2sf) =	vpush v1, $0x3;
	_ =	sdelay $0xe  }
0x17f: {  	s10 =	spop (v2sf)  }
0x180: {  	s11 =	sshrl.u32 s10, $0x3  }
0x181: {  	s11 =	smul.u32 $0x30000, s11;
	_ =	sdelay $0x1  }
0x182: {  	s10 =	sshll.u32 s10, $0x7;
	s11 =	sshra.s32 s11, $0x2  }
0x183: {  	s20 =	rddreg [dreg:$0xd];
	s10 =	sand.u32 $0x380, s10;
	s11 =	sadd.s32 s11, s2  }
0x184: {  	[sflag:s8] =	ssyncset.done @!p0 $0x0;
	s21 =	sadd.s32 s9, s20;
	s10 =	sadd.s32 s10, s11  }
0x185: {  	[sflag:s8] =	ssyncadd.s32 @!p0 $0xFFFFFD00;
	s12 =	sadd.s32 $0x30, s21;
	s10 =	sshrl.u32 s10, $0x3  }
0x186: {  	[hbm:s12@s17], [sflag:s29] =	dma.strided [spmem:s10@s17], $0x300, s22, $0x10   }
0x187: {  	(v2sf) =	vpush @p0 v1, $0x7;
	_ =	sdelay $0xe  }
0x188: {  	s8 =	spop @p0 (v2sf)  }
0x189: {  	s10 =	sshrl.u32 @p0 s8, $0x3  }
0x18a: {  	s10 =	smul.u32 @p0 $0x30000, s10;
	_ =	sdelay $0x1  }
0x18b: {  	s8 =	sshll.u32 @p0 s8, $0x7;
	s10 =	sshra.s32 @p0 s10, $0x2  }
0x18c: {  	s11 =	sadd.s32 @p0 s9, s20;
	s8 =	sand.u32 @p0 $0x380, s8;
	s10 =	sadd.s32 @p0 s10, s2  }
0x18d: {  	s12 =	simm.s32 @p0 $0x80;
	s23 =	rddreg [dreg:$0x10];
	s8 =	sadd.s32 @p0 s8, s10  }
0x18e: {  	s10 =	sadd.s32 @p0 $0x70, s11;
	s11 =	simm.s32 @p0 $0x1;
	s8 =	sshrl.u32 @p0 s8, $0x3  }
0x18f: {  	[hbm:s10@s12], [sflag:s23] =	dma.strided @p0 [spmem:s8@s12], $0x300, s11, $0x10   }
0x190: {  	s8 =	simm.s32 @!p0 $0xE  }
0x191: {  	_ =	swait.ge @!p0 [sflag:s8], $0x300  }
0x192: {  	(v2sf) =	vpush @!p0 v1, $0x7;
	_ =	sdelay $0xe  }
0x193: {  	s10 =	spop @!p0 (v2sf)  }
0x194: {  	s11 =	sshrl.u32 @!p0 s10, $0x3  }
0x195: {  	s11 =	smul.u32 @!p0 $0x30000, s11;
	_ =	sdelay $0x1  }
0x196: {  	s12 =	sadd.s32 @!p0 s9, s20;
	s10 =	sshll.u32 @!p0 s10, $0x7;
	s11 =	sshra.s32 @!p0 s11, $0x2  }
0x197: {  	[sflag:s8] =	ssyncset.done @!p0 $0x0;
	s10 =	sand.u32 @!p0 $0x380, s10;
	s11 =	sadd.s32 @!p0 s11, s2  }
0x198: {  	[sflag:s8] =	ssyncadd.s32 @!p0 $0xFFFFFD00;
	s8 =	sadd.s32 @!p0 s10, s11;
	s10 =	sadd.s32 @!p0 $0x70, s12  }
0x199: {  	s11 =	simm.s32 @!p0 $0x1;
	s12 =	simm.s32 @!p0 $0x80;
	s8 =	sshrl.u32 @!p0 s8, $0x3  }
0x19a: {  	[hbm:s10@s12], [sflag:s23] =	dma.strided @!p0 [spmem:s8@s12], $0x300, s11, $0x10   }
0x19b: {  	s8 =	simm.s32 @!p0 $0xF  }
0x19c: {  	_ =	swait.ge @!p0 [sflag:s8], $0x300  }
0x19d: {  	(v2sf) =	vpush v1, $0xB;
	_ =	sdelay $0xe  }
0x19e: {  	s23 =	spop (v2sf)  }
0x19f: {  	s31 =	sshrl.u32 s23, $0x3  }
0x1a0: {  	s11 =	smul.u32 $0x30000, s31;
	_ =	sdelay $0x1  }
0x1a1: {  	[sflag:s8] =	ssyncset.done @!p0 $0x0;
	s10 =	sshll.u32 s23, $0x7;
	s11 =	sshra.s32 s11, $0x2  }
0x1a2: {  	s23 =	rddreg [dreg:$0xb];
	s10 =	sand.u32 $0x380, s10;
	s11 =	sadd.s32 s11, s2  }
0x1a3: {  	[sflag:s8] =	ssyncadd.s32 @!p0 $0xFFFFFD00;
	s10 =	sadd.s32 s10, s11;
	s11 =	sadd.s32 s9, s23  }
0x1a4: {  	s8 =	simm.s32 @!p0 $0x10;
	s12 =	sadd.s32 $0x30, s11;
	s10 =	sshrl.u32 s10, $0x3  }
0x1a5: {  	[hbm:s12@s17], [sflag:s15] =	dma.strided [spmem:s10@s17], $0x300, s22, $0x10   }
0x1a6: {  	_ =	swait.ge @!p0 [sflag:s8], $0x300  }
0x1a7: {  	(v2sf) =	vpush v1, $0xF;
	_ =	sdelay $0xe  }
0x1a8: {  	s20 =	spop (v2sf)  }
0x1a9: {  	s31 =	sshrl.u32 s20, $0x3  }
0x1aa: {  	s12 =	smul.u32 $0x30000, s31;
	_ =	sdelay $0x1  }
0x1ab: {  	s10 =	sshll.u32 s20, $0x7;
	s12 =	sshra.s32 s12, $0x2  }
0x1ac: {  	s10 =	sand.u32 $0x380, s10;
	s12 =	sadd.s32 s12, s2  }
0x1ad: {  	[sflag:s8] =	ssyncset.done @!p0 $0x0;
	s10 =	sadd.s32 s10, s12  }
0x1ae: {  	[sflag:s8] =	ssyncadd.s32 @!p0 $0xFFFFFD00;
	s12 =	sadd.s32 $0x70, s11;
	s10 =	sshrl.u32 s10, $0x3  }
0x1af: {  	[hbm:s12@s17], [sflag:s5] =	dma.strided [spmem:s10@s17], $0x300, s22, $0x10   }
0x1b0: {  	_ =	swait.ge [sflag:s22], $0x1800  }
0x1b1: {  	[sflag:s22] =	ssyncset.done $0x0  }
0x1b2: {  	s8 =	simm.s32 @!p0 $0xB;
	[sflag:s22] =	ssyncadd.s32 $0xFFFFE800  }
0x1b3: {  	[hbm4b:s21+s17] =	stream.strided.scatter [tilespmem:s17], [sflag:$0x7], $0x1800, s16, s17, $0x38;
	[tilespmem:$0x15080] =	vst v63  }
0x1b4: {  	_ =	swait.ge @!p0 [sflag:s8], $0x1800  }
0x1b5: {  	(v2sf) =	vpush v1, $0x5;
	_ =	sdelay $0xe  }
0x1b6: {  	s20 =	spop (v2sf)  }
0x1b7: {  	s31 =	sshrl.u32 s20, $0x3  }
0x1b8: {  	s12 =	smul.u32 $0x30000, s31;
	_ =	sdelay $0x1  }
0x1b9: {  	s10 =	sshll.u32 s20, $0x7;
	s12 =	sshra.s32 s12, $0x2  }
0x1ba: {  	[sflag:s8] =	ssyncset.done @!p0 $0x0;
	s10 =	sand.u32 $0x380, s10;
	s12 =	sadd.s32 s12, s2  }
0x1bb: {  	[sflag:s8] =	ssyncadd.s32 @!p0 $0xFFFFE800;
	s10 =	sadd.s32 s10, s12  }
0x1bc: {  	[tilespmem:s24], [sflag:$0x5] =	stream.strided.gather [spmem:s10], $0x1800, s16, s17, $0x38;
	[tilespmem:$0x15080] =	vst v63  }
0x1bd: {  	_ =	swait.ge [sflag:s25], $0x1800  }
0x1be: {  	s8 =	simm.s32 @!p0 $0xC;
	[sflag:s25] =	ssyncset.done $0x0  }
0x1bf: {  	s20 =	simm.s32 $0x1880;
	s12 =	sadd.s32 $0x10, s21;
	[sflag:s25] =	ssyncadd.s32 $0xFFFFE800  }
0x1c0: {  	[hbm4b:s12+s17] =	stream.strided.scatter [tilespmem:s20], [sflag:$0x8], $0x1800, s16, s17, $0x38;
	[tilespmem:$0x15080] =	vst v63  }
0x1c1: {  	_ =	swait.ge @!p0 [sflag:s8], $0x1800  }
0x1c2: {  	(v2sf) =	vpush v1, $0x6;
	_ =	sdelay $0xe  }
0x1c3: {  	s10 =	spop (v2sf)  }
0x1c4: {  	s31 =	sshrl.u32 s10, $0x3  }
0x1c5: {  	s12 =	smul.u32 $0x30000, s31;
	_ =	sdelay $0x1  }
0x1c6: {  	s10 =	sshll.u32 s10, $0x7;
	s12 =	sshra.s32 s12, $0x2  }
0x1c7: {  	[sflag:s8] =	ssyncset.done @!p0 $0x0;
	s10 =	sand.u32 $0x380, s10;
	s12 =	sadd.s32 s12, s2  }
0x1c8: {  	[sflag:s8] =	ssyncadd.s32 @!p0 $0xFFFFE800;
	s10 =	sadd.s32 s10, s12  }
0x1c9: {  	[tilespmem:s26], [sflag:$0x6] =	stream.strided.gather [spmem:s10], $0x1800, s16, s17, $0x38;
	[tilespmem:$0x15080] =	vst v63  }
0x1ca: {  	_ =	swait.ge [sflag:s28], $0x1800  }
0x1cb: {  	[sflag:s28] =	ssyncset.done $0x0  }
0x1cc: {  	s12 =	sadd.s32 $0x20, s21;
	[sflag:s28] =	ssyncadd.s32 $0xFFFFE800  }
0x1cd: {  	[hbm4b:s12+s17] =	stream.strided.scatter [tilespmem:s19], [sflag:$0x9], $0x1800, s16, s17, $0x38;
	[tilespmem:$0x15080] =	vst v63  }
0x1ce: {  	s12 =	simm.s32 $0x7  }
0x1cf: {  	_ =	swait.ge [sflag:s12], $0x1800  }
0x1d0: {  	(v2sf) =	vpush v1, $0x8;
	_ =	sdelay $0xe  }
0x1d1: {  	s8 =	spop (v2sf)  }
0x1d2: {  	s31 =	sshrl.u32 s8, $0x3  }
0x1d3: {  	s10 =	smul.u32 $0x30000, s31;
	_ =	sdelay $0x1  }
0x1d4: {  	s8 =	sshll.u32 s8, $0x7;
	s10 =	sshra.s32 s10, $0x2  }
0x1d5: {  	[sflag:s12] =	ssyncset.done $0x0;
	s8 =	sand.u32 $0x380, s8;
	s10 =	sadd.s32 s10, s2  }
0x1d6: {  	[sflag:s12] =	ssyncadd.s32 $0xFFFFE800;
	s8 =	sadd.s32 s8, s10;
	s10 =	simm.s32 $0x4  }
0x1d7: {  	[tilespmem:s17], [sflag:$0x1] =	stream.strided.gather [spmem:s8], $0x1800, s16, s17, $0x38;
	[tilespmem:$0x15080] =	vst v63  }
0x1d8: {  	_ =	swait.ge [sflag:s10], $0x1800  }
0x1d9: {  	[sflag:s10] =	ssyncset.done $0x0  }
0x1da: {  	s12 =	sadd.s32 $0x40, s21;
	[sflag:s10] =	ssyncadd.s32 $0xFFFFE800  }
0x1db: {  	[hbm4b:s12+s17] =	stream.strided.scatter [tilespmem:s18], [sflag:$0xA], $0x1800, s16, s17, $0x38;
	[tilespmem:$0x15080] =	vst v63  }
0x1dc: {  	s12 =	simm.s32 $0x8  }
0x1dd: {  	_ =	swait.ge [sflag:s12], $0x1800  }
0x1de: {  	(v2sf) =	vpush v1, $0x9;
	_ =	sdelay $0xe  }
0x1df: {  	s8 =	spop (v2sf)  }
0x1e0: {  	s31 =	sshrl.u32 s8, $0x3  }
0x1e1: {  	s10 =	smul.u32 $0x30000, s31;
	_ =	sdelay $0x1  }
0x1e2: {  	s8 =	sshll.u32 s8, $0x7;
	s10 =	sshra.s32 s10, $0x2  }
0x1e3: {  	[sflag:s12] =	ssyncset.done $0x0;
	s8 =	sand.u32 $0x380, s8;
	s10 =	sadd.s32 s10, s2  }
0x1e4: {  	[sflag:s12] =	ssyncadd.s32 $0xFFFFE800;
	s8 =	sadd.s32 s8, s10  }
0x1e5: {  	[tilespmem:s20], [sflag:$0x2] =	stream.strided.gather [spmem:s8], $0x1800, s16, s17, $0x38;
	[tilespmem:$0x15080] =	vst v63  }
0x1e6: {  	_ =	swait.ge [sflag:s0], $0x1800  }
0x1e7: {  	[sflag:s0] =	ssyncset.done $0x0  }
0x1e8: {  	s12 =	sadd.s32 $0x50, s21;
	[sflag:s0] =	ssyncadd.s32 $0xFFFFE800  }
0x1e9: {  	[hbm4b:s12+s17] =	stream.strided.scatter [tilespmem:s24], [sflag:$0xB], $0x1800, s16, s17, $0x38;
	[tilespmem:$0x15080] =	vst v63  }
0x1ea: {  	_ =	swait.ge [sflag:s1], $0x1800  }
0x1eb: {  	(v2sf) =	vpush v1, $0xA;
	_ =	sdelay $0xe  }
0x1ec: {  	s31 =	spop (v2sf)  }
0x1ed: {  	s12 =	sshrl.u32 s31, $0x3  }
0x1ee: {  	s10 =	smul.u32 $0x30000, s12;
	_ =	sdelay $0x1  }
0x1ef: {  	s8 =	sshll.u32 s31, $0x7;
	s10 =	sshra.s32 s10, $0x2  }
0x1f0: {  	[sflag:s1] =	ssyncset.done $0x0;
	s8 =	sand.u32 $0x380, s8;
	s10 =	sadd.s32 s10, s2  }
0x1f1: {  	[sflag:s1] =	ssyncadd.s32 $0xFFFFE800;
	s8 =	sadd.s32 s8, s10  }
0x1f2: {  	[tilespmem:s19], [sflag:$0x3] =	stream.strided.gather [spmem:s8], $0x1800, s16, s17, $0x38;
	[tilespmem:$0x15080] =	vst v63  }
0x1f3: {  	_ =	swait.ge [sflag:s3], $0x1800  }
0x1f4: {  	[sflag:s3] =	ssyncset.done $0x0  }
0x1f5: {  	s21 =	sadd.s32 $0x60, s21;
	[sflag:s3] =	ssyncadd.s32 $0xFFFFE800  }
0x1f6: {  	[hbm4b:s21+s17] =	stream.strided.scatter [tilespmem:s26], [sflag:$0xC], $0x1800, s16, s17, $0x38;
	[tilespmem:$0x15080] =	vst v63  }
0x1f7: {  	_ =	swait.ge [sflag:s4], $0x1800  }
0x1f8: {  	(v2sf) =	vpush v1, $0xC;
	_ =	sdelay $0xe  }
0x1f9: {  	s31 =	spop (v2sf)  }
0x1fa: {  	s12 =	sshrl.u32 s31, $0x3  }
0x1fb: {  	s10 =	smul.u32 $0x30000, s12;
	_ =	sdelay $0x1  }
0x1fc: {  	s8 =	sshll.u32 s31, $0x7;
	s10 =	sshra.s32 s10, $0x2  }
0x1fd: {  	[sflag:s4] =	ssyncset.done $0x0;
	s8 =	sand.u32 $0x380, s8;
	s10 =	sadd.s32 s10, s2  }
0x1fe: {  	[sflag:s4] =	ssyncadd.s32 $0xFFFFE800;
	s8 =	sadd.s32 s8, s10  }
0x1ff: {  	[tilespmem:s18], [sflag:$0x4] =	stream.strided.gather [spmem:s8], $0x1800, s16, s17, $0x38;
	[tilespmem:$0x15080] =	vst v63  }
0x200: {  	_ =	swait.ge [sflag:s22], $0x1800  }
0x201: {  	[sflag:s22] =	ssyncset.done $0x0  }
0x202: {  	[sflag:s22] =	ssyncadd.s32 $0xFFFFE800  }
0x203: {  	[hbm4b:s11+s17] =	stream.strided.scatter [tilespmem:s17], [sflag:$0x7], $0x1800, s16, s17, $0x38;
	[tilespmem:$0x15080] =	vst v63  }
0x204: {  	_ =	swait.ge [sflag:s6], $0x1800  }
0x205: {  	(v2sf) =	vpush v1, $0xD;
	_ =	sdelay $0xe  }
0x206: {  	s21 =	spop (v2sf)  }
0x207: {  	s31 =	sshrl.u32 s21, $0x3  }
0x208: {  	s10 =	smul.u32 $0x30000, s31;
	_ =	sdelay $0x1  }
0x209: {  	s8 =	sshll.u32 s21, $0x7;
	s10 =	sshra.s32 s10, $0x2  }
0x20a: {  	[sflag:s6] =	ssyncset.done $0x0;
	s8 =	sand.u32 $0x380, s8;
	s10 =	sadd.s32 s10, s2  }
0x20b: {  	[sflag:s6] =	ssyncadd.s32 $0xFFFFE800;
	s8 =	sadd.s32 s8, s10  }
0x20c: {  	[tilespmem:s24], [sflag:$0x5] =	stream.strided.gather [spmem:s8], $0x1800, s16, s17, $0x38;
	[tilespmem:$0x15080] =	vst v63  }
0x20d: {  	_ =	swait.ge [sflag:s25], $0x1800  }
0x20e: {  	[sflag:s25] =	ssyncset.done $0x0  }
0x20f: {  	s10 =	sadd.s32 $0x10, s11;
	[sflag:s25] =	ssyncadd.s32 $0xFFFFE800  }
0x210: {  	[hbm4b:s10+s17] =	stream.strided.scatter [tilespmem:s20], [sflag:$0x8], $0x1800, s16, s17, $0x38;
	[tilespmem:$0x15080] =	vst v63  }
0x211: {  	_ =	swait.ge [sflag:s7], $0x1800  }
0x212: {  	(v2sf) =	vpush v1, $0xE;
	_ =	sdelay $0xe  }
0x213: {  	s12 =	spop (v2sf)  }
0x214: {  	s20 =	sshrl.u32 s12, $0x3  }
0x215: {  	s10 =	smul.u32 $0x30000, s20;
	_ =	sdelay $0x1  }
0x216: {  	s8 =	sshll.u32 s12, $0x7;
	s10 =	sshra.s32 s10, $0x2  }
0x217: {  	[sflag:s7] =	ssyncset.done $0x0;
	s8 =	sand.u32 $0x380, s8;
	s10 =	sadd.s32 s10, s2  }
0x218: {  	[sflag:s7] =	ssyncadd.s32 $0xFFFFE800;
	s8 =	sadd.s32 s8, s10  }
0x219: {  	[tilespmem:s26], [sflag:$0x6] =	stream.strided.gather [spmem:s8], $0x1800, s16, s17, $0x38;
	[tilespmem:$0x15080] =	vst v63  }
0x21a: {  	_ =	swait.ge [sflag:s28], $0x1800  }
0x21b: {  	p0 =	seq.s32 s9, $0x54000;
	[sflag:s28] =	ssyncset.done $0x0  }
0x21c: {  	s21 =	sadd.s32 $0x20, s11;
	s8 =	simm.s32 @p0 $0x4;
	[sflag:s28] =	ssyncadd.s32 $0xFFFFE800  }
0x21d: {  	[hbm4b:s21+s17] =	stream.strided.scatter [tilespmem:s19], [sflag:$0x9], $0x1800, s16, s17, $0x38;
	[tilespmem:$0x15080] =	vst v63  }
0x21e: {  	s12 =	simm.s32 @p0 $0x400;
	_ =	swait.ge @p0 [sflag:s8], $0x1800  }
0x21f: {  	s20 =	simm.s32 @p0 $0x4880;
	s10 =	sadd.s32 @p0 s9, s23;
	[sflag:s8] =	ssyncset.done @p0 $0x0  }
0x220: {  	[sflag:s8] =	ssyncadd.s32 @p0 $0xFFFFE800;
	s8 =	sadd.s32 @p0 $0x40, s10;
	s10 =	simm.s32 @p0 $0x80  }
0x221: {  	[hbm4b:s8+s10] =	stream.strided.scatter @p0 [tilespmem:s20], [sflag:$0xA], $0x1800, s12, s10, $0x38;
	[tilespmem:$0x15080] =	vst v63  }
0x222: {  	s8 =	simm.s32 @!p0 $0x7  }
0x223: {  	_ =	swait.ge @!p0 [sflag:s8], $0x1800  }
0x224: {  	(v2sf) =	vpush @!p0 v0, $0x0;
	_ =	sdelay $0xe  }
0x225: {  	s10 =	spop @!p0 (v2sf)  }
0x226: {  	s12 =	sshrl.u32 @!p0 s10, $0x3  }
0x227: {  	s12 =	smul.u32 @!p0 $0x30000, s12;
	_ =	sdelay $0x1  }
0x228: {  	[sflag:s8] =	ssyncset.done @!p0 $0x0;
	s10 =	sshll.u32 @!p0 s10, $0x7;
	s12 =	sshra.s32 @!p0 s12, $0x2  }
0x229: {  	[sflag:s8] =	ssyncadd.s32 @!p0 $0xFFFFE800;
	s8 =	sand.u32 @!p0 $0x380, s10;
	s10 =	sadd.s32 @!p0 s12, s2  }
0x22a: {  	s12 =	simm.s32 @!p0 $0x80;
	s8 =	sadd.s32 @!p0 s8, s10;
	s10 =	simm.s32 @!p0 $0x400  }
0x22b: {  	[tilespmem:s12], [sflag:$0x1] =	stream.strided.gather @!p0 [spmem:s8], $0x1800, s10, s12, $0x38;
	[tilespmem:$0x15080] =	vst v63  }
0x22c: {  	s8 =	simm.s32 @!p0 $0x4  }
0x22d: {  	_ =	swait.ge @!p0 [sflag:s8], $0x1800  }
0x22e: {  	s20 =	sadd.s32 @!p0 s9, s23;
	[sflag:s8] =	ssyncset.done @!p0 $0x0  }
0x22f: {  	[sflag:s8] =	ssyncadd.s32 @!p0 $0xFFFFE800;
	s8 =	sadd.s32 @!p0 $0x40, s20;
	s20 =	simm.s32 @!p0 $0x4880  }
0x230: {  	[hbm4b:s8+s12] =	stream.strided.scatter @!p0 [tilespmem:s20], [sflag:$0xA], $0x1800, s10, s12, $0x38;
	[tilespmem:$0x15080] =	vst v63  }
0x231: {  	s8 =	simm.s32 @!p0 $0x8  }
0x232: {  	_ =	swait.ge @!p0 [sflag:s8], $0x1800  }
0x233: {  	(v2sf) =	vpush @!p0 v0, $0x1;
	_ =	sdelay $0xe  }
0x234: {  	s20 =	spop @!p0 (v2sf)  }
0x235: {  	s21 =	sshrl.u32 @!p0 s20, $0x3  }
0x236: {  	s21 =	smul.u32 @!p0 $0x30000, s21;
	_ =	sdelay $0x1  }
0x237: {  	s20 =	sshll.u32 @!p0 s20, $0x7;
	s21 =	sshra.s32 @!p0 s21, $0x2  }
0x238: {  	[sflag:s8] =	ssyncset.done @!p0 $0x0;
	s20 =	sand.u32 @!p0 $0x380, s20;
	s21 =	sadd.s32 @!p0 s21, s2  }
0x239: {  	[sflag:s8] =	ssyncadd.s32 @!p0 $0xFFFFE800;
	s8 =	sadd.s32 @!p0 s20, s21;
	s20 =	simm.s32 @!p0 $0x1880  }
0x23a: {  	[tilespmem:s20], [sflag:$0x2] =	stream.strided.gather @!p0 [spmem:s8], $0x1800, s10, s12, $0x38;
	[tilespmem:$0x15080] =	vst v63  }
.Ltmp4:
0x23b: {  	_ = 	snop;
	(pc) =	sbr.rel @p0 .LBB2_7-.Ltmp4, $4  }
0x23c: {  	_ =	swait.ge [sflag:s0], $0x1800  }
0x23d: {  	s30 =	simm.s32 $0x1880;
	[sflag:s0] =	ssyncset.done $0x0  }
0x23e: {  	s31 =	sadd.s32 $0x50, s11;
	s11 =	sadd.s32 $0x60, s11;
	[sflag:s0] =	ssyncadd.s32 $0xFFFFE800  }
0x23f: {  	[hbm4b:s31+s17] =	stream.strided.scatter [tilespmem:s24], [sflag:$0xB], $0x1800, s16, s17, $0x38;
	[tilespmem:$0x15080] =	vst v63  }
0x240: {  	_ =	swait.ge [sflag:s1], $0x1800  }
0x241: {  	(v2sf) =	vpush v0, $0x2;
	_ =	sdelay $0xe  }
0x242: {  	s8 =	spop (v2sf)  }
0x243: {  	s10 =	sshrl.u32 s8, $0x3  }
0x244: {  	s10 =	smul.u32 $0x30000, s10;
	_ =	sdelay $0x1  }
0x245: {  	s8 =	sshll.u32 s8, $0x7;
	s10 =	sshra.s32 s10, $0x2  }
0x246: {  	[sflag:s1] =	ssyncset.done $0x0;
	s8 =	sand.u32 $0x380, s8;
	s10 =	sadd.s32 s10, s2  }
0x247: {  	[sflag:s1] =	ssyncadd.s32 $0xFFFFE800;
	s8 =	sadd.s32 s8, s10  }
0x248: {  	[tilespmem:s19], [sflag:$0x3] =	stream.strided.gather [spmem:s8], $0x1800, s16, s17, $0x38;
	[tilespmem:$0x15080] =	vst v63  }
0x249: {  	_ =	swait.ge [sflag:s3], $0x1800  }
0x24a: {  	[sflag:s3] =	ssyncset.done $0x0  }
0x24b: {  	[sflag:s3] =	ssyncadd.s32 $0xFFFFE800  }
0x24c: {  	[hbm4b:s11+s17] =	stream.strided.scatter [tilespmem:s26], [sflag:$0xC], $0x1800, s16, s17, $0x38;
	[tilespmem:$0x15080] =	vst v63  }
0x24d: {  	_ =	swait.ge [sflag:s4], $0x1800  }
0x24e: {  	(v2sf) =	vpush v0, $0x4;
	_ =	sdelay $0xe  }
0x24f: {  	s30 =	spop (v2sf)  }
0x250: {  	s31 =	sshrl.u32 s30, $0x3  }
0x251: {  	s10 =	smul.u32 $0x30000, s31  }
.Ltmp5:
0x252: {  	s9 =	sadd.s32 $0xC000, s9;
	(pc) =	sbr.rel .LBB2_5-.Ltmp5, $4  }
0x253: {  	s14 =	sadd.s32 $0x10, s14;
	s8 =	sshll.u32 s30, $0x7;
	s10 =	sshra.s32 s10, $0x2  }
0x254: {  	[sflag:s4] =	ssyncset.done $0x0;
	s8 =	sand.u32 $0x380, s8;
	s10 =	sadd.s32 s10, s2  }
0x255: {  	s13 =	sadd.s32 $0x10, s13;
	[sflag:s4] =	ssyncadd.s32 $0xFFFFE800;
	s8 =	sadd.s32 s8, s10  }
0x256: {  	[tilespmem:s18], [sflag:$0x4] =	stream.strided.gather [spmem:s8], $0x1800, s16, s17, $0x38;
	[tilespmem:$0x15080] =	vst v63  }
.LBB2_8:
0x257: {  	_ =	sfence.sel $0x180000  }
0x258: {  	[bflag:$0x0] =	sbarrier.arrive $0xFFFF  }
0x259: {  	_ =	strace $0x90000047  }
0x25a: {  	s0 =	stileid.u32;
	[bflag:$0x2] =	sbarrier.arrive $0xFFFF  }
0x25b: {  	p0 =	sne.s32 s0, $0x0;
	s0 =	rddreg [dreg:$0x4]  }
0x25c: {  	s0 =	sadd.s32 @!p0 $0x100000, s0  }
0x25d: {  	[sflag:s0] =	ssyncadd.tile.s32 @!p0 $0x1;
	_ =	shalt  }
.Lfunc_end2:
_tile_overlayer_lowered:
.L_overlay_start_2:
0x25e: {  	(tag) =	ssettag $0x2  }
0x25f: {  	s0 =	rddreg [dreg:$0x0];
	s2 =	stileid.u32  }
0x260: {  	s1 =	rddreg [dreg:$0x1];
	p0 =	sne.s32 s2, $0x0  }
0x261: {  	s3 =	rddreg [dreg:$0x2];
	[bflag:$0x3] =	sbarrier.arrive $0xFFFF;
	s2 =	simm.s32 @!p0 $0x1C11  }
0x262: {  	[timem:s3], [sflag:s2] =	dma.local @!p0 [hbm:s0], s1  }
0x263: {  	s0 =	simm.s32 @!p0 $0x11  }
0x264: {  	_ =	swait.ge @!p0 [sflag:s0], s1  }
0x265: {  	s1 =	ssub.s32 @!p0 $0x0, s1;
	[sflag:s0] =	ssyncset.done @!p0 $0x0  }
0x266: {  	[sflag:s0] =	ssyncadd.s32 @!p0 s1  }
0x267: {  	[bflag:$0x3] =	sbarrier.arrive $0xFFFF  }
0x268: {  	_ =	shalt  }

</sc_bundles>
